<compile_context>
chip_gen: v7x
topology: tpu7x:2x2x1
jax: 0.10.2.dev20260603
libtpu: 0.0.44.dev20260713+nightly
codegen_flags: <defaults>
</compile_context>

<pallas_src>
import functools

import jax
import jax.numpy as jnp
from jax import lax
from jax.experimental import pallas as pl
from jax.experimental.pallas import tpu as pltpu
from jax.experimental.pallas import tpu_sc as plsc

B, L = 4096, 50
T = B * L
ED = 32
D = 4 * ED
IE_FILTER, HIDDEN = 256, 128
SHOW_ED = 8
POS_V = 200
CATE_V, PRICE_V = 1000, 100

NC, NS = 2, 16
NW = NC * NS
TPW = T // NW
CHUNK = 320
NCHUNKS = TPW // CHUNK
NCH2 = NCHUNKS // 2

BT = 4096


def _sc_gather(gi, si, ci, pi, gt, st, ct, pt):
    mesh = plsc.VectorSubcoreMesh(core_axis_name="c", subcore_axis_name="s")

    @functools.partial(
        pl.kernel,
        out_type=jax.ShapeDtypeStruct((T, D), jnp.float32),
        mesh=mesh,
        scratch_types=[
            [pltpu.VMEM((CHUNK,), jnp.int32) for _ in range(8)],
            [pltpu.VMEM((CHUNK, D), jnp.float32) for _ in range(2)],
            pltpu.SemaphoreType.DMA,
            pltpu.SemaphoreType.DMA,
            pltpu.SemaphoreType.DMA,
            pltpu.SemaphoreType.DMA,
        ],
    )
    def k(gi_h, si_h, ci_h, pi_h, gt_h, st_h, ct_h, pt_h, items_out,
          idx_v, items_v, sem_g, sem_i, sem_s0, sem_s1):
        wid = lax.axis_index("s") * NC + lax.axis_index("c")
        base = wid * TPW

        def load_idx(slot, c, sync):
            off = base + c * CHUNK
            for f, ids_h in enumerate((gi_h, si_h, ci_h, pi_h)):
                src = ids_h.at[pl.ds(off, CHUNK)]
                if sync:
                    pltpu.sync_copy(src, idx_v[slot * 4 + f])
                else:
                    pltpu.async_copy(src, idx_v[slot * 4 + f], sem_i)

        def gather_chunk(slot, c, sem_s):
            off = base + c * CHUNK
            buf = items_v[slot]
            ix = idx_v[slot * 4:slot * 4 + 4]
            pltpu.async_copy(gt_h.at[ix[0]], buf, sem_g).wait()
            d1 = pltpu.async_copy(st_h.at[ix[1]], buf, sem_g, add=True)
            d2 = pltpu.async_copy(ct_h.at[ix[2]], buf, sem_g, add=True)
            d3 = pltpu.async_copy(pt_h.at[ix[3]], buf, sem_g, add=True)
            d1.wait()
            d2.wait()
            d3.wait()
            pltpu.async_copy(buf, items_out.at[pl.ds(off, CHUNK)], sem_s)

        def drain_store(slot, sem_s):
            pltpu.make_async_copy(items_out.at[pl.ds(base, CHUNK)],
                                  items_v[slot], sem_s).wait()

        load_idx(0, 0, sync=True)
        load_idx(1, 1, sync=True)

        def body(m, carry):
            @pl.when(m > 0)
            def _():
                drain_store(0, sem_s0)
            gather_chunk(0, 2 * m, sem_s0)

            @pl.when(m < NCH2 - 1)
            def _():
                load_idx(0, 2 * m + 2, sync=False)

            @pl.when(m > 0)
            def _():
                drain_store(1, sem_s1)
            gather_chunk(1, 2 * m + 1, sem_s1)

            @pl.when(m < NCH2 - 1)
            def _():
                load_idx(1, 2 * m + 3, sync=False)
                for _ in range(8):
                    pltpu.make_async_copy(gi_h.at[pl.ds(base, CHUNK)],
                                          idx_v[0], sem_i).wait()
            return carry

        lax.fori_loop(0, NCH2, body, 0)
        drain_store(0, sem_s0)
        drain_store(1, sem_s1)

    return k(gi, si, ci, pi, gt, st, ct, pt)


def _prep_band(table, k):
    V = table.shape[0]
    VB = 2048 if V > 2048 else V
    tt = jnp.swapaxes(table, 0, 1)

    def body(t_ref, o_ref):
        tr = t_ref[...].T
        z = jnp.zeros((VB, ED), jnp.float32)
        parts = [tr if j == k else z for j in range(4)]
        o_ref[...] = jnp.concatenate(parts, axis=1)

    return pl.pallas_call(
        body,
        grid=(pl.cdiv(V, VB),),
        in_specs=[pl.BlockSpec((ED, VB), lambda i: (0, i))],
        out_specs=pl.BlockSpec((VB, D), lambda i: (i, 0)),
        out_shape=jax.ShapeDtypeStruct((V, D), jnp.float32),
    )(tt)


def _tc_mlp(items4, rp_ids, sp_ids, rp_table, sp_table_t, w1, b1, w2, b2):
    NJ = B // BT

    def body(x_ref, rpi_ref, spi_ref, rpt_ref, spt_ref,
             w1_ref, b1_ref, w2_ref, b2_ref, out_ref, sp_ref):
        rpi = rpi_ref[0]
        spi = spi_ref[0]
        pos_iota = lax.broadcasted_iota(jnp.int32, (POS_V, BT), 0)
        oh_rp_t = (pos_iota == rpi).astype(jnp.bfloat16)
        oh_sp_t = (pos_iota == spi).astype(jnp.float32)
        rp = lax.dot_general(
            oh_rp_t, rpt_ref[...], (((0,), (0,)), ((), ())),
            preferred_element_type=jnp.float32)
        x = (x_ref[...] + rp).astype(jnp.bfloat16)
        sp_t = jnp.dot(spt_ref[...], oh_sp_t,
                       preferred_element_type=jnp.float32)
        sp_ref[...] = sp_t.reshape(1, SHOW_ED, BT)
        h = jnp.dot(x, w1_ref[...], preferred_element_type=jnp.float32)
        h = jnp.maximum(h + b1_ref[...], 0.0).astype(jnp.bfloat16)
        o = jnp.dot(h, w2_ref[...], preferred_element_type=jnp.float32)
        out_ref[...] = jnp.maximum(o + b2_ref[...], 0.0).reshape(1, BT, HIDDEN)

    grid = (T // BT,)
    return pl.pallas_call(
        body,
        grid=grid,
        in_specs=[
            pl.BlockSpec((BT, D), lambda i: (i, 0)),
            pl.BlockSpec((1, 1, BT), lambda i: (i, 0, 0)),
            pl.BlockSpec((1, 1, BT), lambda i: (i, 0, 0)),
            pl.BlockSpec((POS_V, D), lambda i: (0, 0)),
            pl.BlockSpec((SHOW_ED, POS_V), lambda i: (0, 0)),
            pl.BlockSpec((D, IE_FILTER), lambda i: (0, 0)),
            pl.BlockSpec((1, IE_FILTER), lambda i: (0, 0)),
            pl.BlockSpec((IE_FILTER, HIDDEN), lambda i: (0, 0)),
            pl.BlockSpec((1, HIDDEN), lambda i: (0, 0)),
        ],
        out_specs=[
            pl.BlockSpec((1, BT, HIDDEN), lambda i: (i // NJ, i % NJ, 0)),
            pl.BlockSpec((1, SHOW_ED, BT), lambda i: (i // NJ, 0, i % NJ)),
        ],
        out_shape=[
            jax.ShapeDtypeStruct((L, B, HIDDEN), jnp.float32),
            jax.ShapeDtypeStruct((L, SHOW_ED, B), jnp.float32),
        ],
    )(items4, rp_ids.reshape(T // BT, 1, BT), sp_ids.reshape(T // BT, 1, BT),
      rp_table, sp_table_t, w1, b1.reshape(1, IE_FILTER), w2,
      b2.reshape(1, HIDDEN))


def kernel(goods_ids, shop_ids, cate_ids, gprice_ids, rankpos_ids, showpos_ids,
           goods_table, shop_table, cate_table, price_table, rankpos_table,
           showpos_table, gamma1, beta1, mean1, var1, W1, b1,
           gamma2, beta2, mean2, var2, W2, b2):
    gi, si, ci, pi, ri, wi = [
        jnp.swapaxes(a, 0, 1).reshape(T).astype(jnp.int32) for a in
        (goods_ids, shop_ids, cate_ids, gprice_ids, rankpos_ids, showpos_ids)]

    gt = _prep_band(goods_table, 0)
    st = _prep_band(shop_table, 1)
    ct = _prep_band(cate_table, 2)
    pt = _prep_band(price_table, 3)

    eps = 1e-6
    a1 = gamma1 * lax.rsqrt(var1 + eps)
    c1 = beta1 - mean1 * a1
    w1 = W1 * a1[:, None]
    b1f = b1 + c1 @ W1
    a2 = gamma2 * lax.rsqrt(var2 + eps)
    c2 = beta2 - mean2 * a2
    w2 = W2 * a2[:, None]
    b2f = b2 + c2 @ W2

    items4 = _sc_gather(gi, si, ci, pi, gt, st, ct, pt)
    out_lb, sp_lb = _tc_mlp(items4, ri, wi,
                            rankpos_table.astype(jnp.bfloat16),
                            jnp.swapaxes(showpos_table, 0, 1),
                            w1.astype(jnp.bfloat16), b1f,
                            w2.astype(jnp.bfloat16), b2f)

    sequence_len = jnp.full((B,), L, dtype=jnp.int32)
    return (jnp.transpose(out_lb, (1, 0, 2)), sequence_len,
            jnp.transpose(sp_lb, (2, 0, 1)))

# --- scband reference (transcript-rebuilt; emitter-appended) ---
"""Pipeline reference for scband-items-embedding-72035191488558 (READ-ONLY COPY).

The authoritative reference and input builder live on the scoring server;
editing this copy changes nothing except your own understanding.
"""

import jax, jax.numpy as jnp
import numpy as np

B, L = 4096, 50
ED = 32
GOODS_V, SHOP_V, CATE_V, PRICE_V, POS_V = 100000, 100000, 1000, 100, 200
IE_FILTER, HIDDEN = 256, 128
SHOW_ED = 8
D = 4 * ED


def setup_inputs(seed: int = 0) -> dict:
    key = jax.random.key(seed)
    ks = jax.random.split(key, 16)
    inp = {}
    inp['goods_ids'] = jax.random.randint(ks[0], (B, L), 0, GOODS_V, dtype=jnp.int32).astype(jnp.int64)
    inp['shop_ids'] = jax.random.randint(ks[1], (B, L), 0, SHOP_V, dtype=jnp.int32).astype(jnp.int64)
    inp['cate_ids'] = jax.random.randint(ks[2], (B, L), 0, CATE_V, dtype=jnp.int32).astype(jnp.int64)
    inp['gprice_ids'] = jax.random.randint(ks[3], (B, L), 0, PRICE_V, dtype=jnp.int32).astype(jnp.int64)
    inp['rankpos_ids'] = jax.random.randint(ks[4], (B, L), 0, POS_V, dtype=jnp.int32).astype(jnp.int64)
    inp['showpos_ids'] = jax.random.randint(ks[5], (B, L), 0, POS_V, dtype=jnp.int32).astype(jnp.int64)
    inp['goods_table'] = jax.random.normal(ks[6], (GOODS_V, ED), dtype=jnp.float32) * 0.02
    inp['shop_table'] = jax.random.normal(ks[7], (SHOP_V, ED), dtype=jnp.float32) * 0.02
    inp['cate_table'] = jax.random.normal(ks[8], (CATE_V, ED), dtype=jnp.float32) * 0.02
    inp['price_table'] = jax.random.normal(ks[9], (PRICE_V, ED), dtype=jnp.float32) * 0.02
    inp['rankpos_table'] = jax.random.normal(ks[10], (POS_V, D), dtype=jnp.float32) * 0.02
    inp['showpos_table'] = jax.random.normal(ks[11], (POS_V, SHOW_ED), dtype=jnp.float32) * 0.02
    inp['gamma1'] = jnp.ones((D,), jnp.float32)
    inp['beta1'] = jnp.zeros((D,), jnp.float32)
    inp['mean1'] = jnp.zeros((D,), jnp.float32)
    inp['var1'] = jnp.ones((D,), jnp.float32)
    inp['W1'] = jax.random.normal(ks[12], (D, IE_FILTER), dtype=jnp.float32) * 0.05
    inp['b1'] = jnp.zeros((IE_FILTER,), jnp.float32)
    inp['gamma2'] = jnp.ones((IE_FILTER,), jnp.float32)
    inp['beta2'] = jnp.zeros((IE_FILTER,), jnp.float32)
    inp['mean2'] = jnp.zeros((IE_FILTER,), jnp.float32)
    inp['var2'] = jnp.ones((IE_FILTER,), jnp.float32)
    inp['W2'] = jax.random.normal(ks[13], (IE_FILTER, HIDDEN), dtype=jnp.float32) * 0.05
    inp['b2'] = jnp.zeros((HIDDEN,), jnp.float32)
    return inp


def reference(goods_ids, shop_ids, cate_ids, gprice_ids, rankpos_ids, showpos_ids,
              goods_table, shop_table, cate_table, price_table, rankpos_table, showpos_table,
              gamma1, beta1, mean1, var1, W1, b1,
              gamma2, beta2, mean2, var2, W2, b2):
    # SequenceFeatures lookups for each sparse item field
    g = jnp.take(goods_table, goods_ids, axis=0)
    s = jnp.take(shop_table, shop_ids, axis=0)
    c = jnp.take(cate_table, cate_ids, axis=0)
    p = jnp.take(price_table, gprice_ids, axis=0)
    rp = jnp.take(rankpos_table, rankpos_ids, axis=0)
    sp = jnp.take(showpos_table, showpos_ids, axis=0)
    items_rep = jnp.concatenate([g, s, c, p], axis=-1)
    items_rep = rp + items_rep
    # mlp (inference: BN uses moving stats, dropout is identity)
    eps = 1e-06
    x = (items_rep - mean1) * jax.lax.rsqrt(var1 + eps) * gamma1 + beta1
    x = jax.nn.relu(jnp.dot(x, W1) + b1)
    x = (x - mean2) * jax.lax.rsqrt(var2 + eps) * gamma2 + beta2
    out = jax.nn.relu(jnp.dot(x, W2) + b2)
    sequence_len = jnp.full((goods_ids.shape[0],), goods_ids.shape[1], dtype=jnp.int32)
    return (out, sequence_len, sp)

if __name__ == "__main__":
    import jax
    _d = setup_inputs()
    print(jax.jit(kernel)(*tuple(_d.values())))

</pallas_src>

<mosaic_0001>
#map = affine_map<(d0, d1) -> (0)>
#map1 = affine_map<(d0, d1) -> (0, 0)>
module attributes {stable_mosaic.version = 14 : i64} {
  func.func @k(%arg0: i32, %arg1: i32, %arg2: memref<204800xi32, #tpu.memory_space<hbm>>, %arg3: memref<204800xi32, #tpu.memory_space<hbm>>, %arg4: memref<204800xi32, #tpu.memory_space<hbm>>, %arg5: memref<204800xi32, #tpu.memory_space<hbm>>, %arg6: memref<100000x128xf32, #tpu.memory_space<hbm>>, %arg7: memref<100000x128xf32, #tpu.memory_space<hbm>>, %arg8: memref<1000x128xf32, #tpu.memory_space<hbm>>, %arg9: memref<100x128xf32, #tpu.memory_space<hbm>>, %arg10: memref<204800x128xf32, #tpu.memory_space<hbm>>, %arg11: memref<320xi32, #tpu.memory_space<vmem>>, %arg12: memref<320xi32, #tpu.memory_space<vmem>>, %arg13: memref<320xi32, #tpu.memory_space<vmem>>, %arg14: memref<320xi32, #tpu.memory_space<vmem>>, %arg15: memref<320xi32, #tpu.memory_space<vmem>>, %arg16: memref<320xi32, #tpu.memory_space<vmem>>, %arg17: memref<320xi32, #tpu.memory_space<vmem>>, %arg18: memref<320xi32, #tpu.memory_space<vmem>>, %arg19: memref<320x128xf32, #tpu.memory_space<vmem>>, %arg20: memref<320x128xf32, #tpu.memory_space<vmem>>, %arg21: memref<!tpu.dma_semaphore, #tpu.memory_space<semaphore_mem>>, %arg22: memref<!tpu.dma_semaphore, #tpu.memory_space<semaphore_mem>>, %arg23: memref<!tpu.dma_semaphore, #tpu.memory_space<semaphore_mem>>, %arg24: memref<!tpu.dma_semaphore, #tpu.memory_space<semaphore_mem>>) attributes {dimension_semantics = [#tpu.dimension_semantics<core_parallel>, #tpu.dimension_semantics<subcore_parallel>], iteration_bounds = array<i64: 2, 16>, scalar_prefetch = 0 : i64, scratch_operands = 14 : i64, tpu.core_type = #tpu.core_type<sc_vector_subcore>, window_params = [{transform_indices = #map}, {transform_indices = #map}, {transform_indices = #map}, {transform_indices = #map}, {transform_indices = #map1}, {transform_indices = #map1}, {transform_indices = #map1}, {transform_indices = #map1}, {transform_indices = #map1}]} {
    %mul3A = arith.constant 2 : i32
    %mul3A_0 = arith.muli %arg1, %mul3A : i32
    %add3A = arith.addi %mul3A_0, %arg0 : i32
    %mul3A_1 = arith.constant 6400 : i32
    %mul3A_2 = arith.muli %add3A, %mul3A_1 : i32
    %add3A_3 = arith.constant 0 : i32
    %add3A_4 = arith.addi %mul3A_2, %add3A_3 : i32
    "tpu.region"() ({
      %run_scoped3A = tpu.sem_alloc : memref<!tpu.dma_semaphore, #tpu.memory_space<semaphore_mem>>
      %dma_start3A = tpu.memref_slice %arg2[%add3A_4] : memref<204800xi32, #tpu.memory_space<hbm>> -> memref<320xi32, #tpu.memory_space<hbm>>
      %dma_start3A_19 = tpu.memref_slice %arg2[%add3A_4] : memref<204800xi32, #tpu.memory_space<hbm>> -> memref<320xi32, #tpu.memory_space<hbm>>
      tpu.enqueue_dma source(%dma_start3A_19 : memref<320xi32, #tpu.memory_space<hbm>>) target(%arg11 : memref<320xi32, #tpu.memory_space<vmem>>) target_semaphore(%run_scoped3A : memref<!tpu.dma_semaphore, #tpu.memory_space<semaphore_mem>>)
      %dma_wait3A_20 = tpu.memref_slice %arg2[%add3A_4] : memref<204800xi32, #tpu.memory_space<hbm>> -> memref<320xi32, #tpu.memory_space<hbm>>
      %dma_wait3A_21 = tpu.memref_slice %arg2[%add3A_4] : memref<204800xi32, #tpu.memory_space<hbm>> -> memref<320xi32, #tpu.memory_space<hbm>>
      tpu.wait_dma2 semaphore(%run_scoped3A : memref<!tpu.dma_semaphore, #tpu.memory_space<semaphore_mem>>) src(%dma_wait3A_21 : memref<320xi32, #tpu.memory_space<hbm>>) dst(%arg11 : memref<320xi32, #tpu.memory_space<vmem>>)
      tpu.yield
    }) : () -> ()
    "tpu.region"() ({
      %run_scoped3A = tpu.sem_alloc : memref<!tpu.dma_semaphore, #tpu.memory_space<semaphore_mem>>
      %dma_start3A = tpu.memref_slice %arg3[%add3A_4] : memref<204800xi32, #tpu.memory_space<hbm>> -> memref<320xi32, #tpu.memory_space<hbm>>
      %dma_start3A_19 = tpu.memref_slice %arg3[%add3A_4] : memref<204800xi32, #tpu.memory_space<hbm>> -> memref<320xi32, #tpu.memory_space<hbm>>
      tpu.enqueue_dma source(%dma_start3A_19 : memref<320xi32, #tpu.memory_space<hbm>>) target(%arg12 : memref<320xi32, #tpu.memory_space<vmem>>) target_semaphore(%run_scoped3A : memref<!tpu.dma_semaphore, #tpu.memory_space<semaphore_mem>>)
      %dma_wait3A_20 = tpu.memref_slice %arg3[%add3A_4] : memref<204800xi32, #tpu.memory_space<hbm>> -> memref<320xi32, #tpu.memory_space<hbm>>
      %dma_wait3A_21 = tpu.memref_slice %arg3[%add3A_4] : memref<204800xi32, #tpu.memory_space<hbm>> -> memref<320xi32, #tpu.memory_space<hbm>>
      tpu.wait_dma2 semaphore(%run_scoped3A : memref<!tpu.dma_semaphore, #tpu.memory_space<semaphore_mem>>) src(%dma_wait3A_21 : memref<320xi32, #tpu.memory_space<hbm>>) dst(%arg12 : memref<320xi32, #tpu.memory_space<vmem>>)
      tpu.yield
    }) : () -> ()
    "tpu.region"() ({
      %run_scoped3A = tpu.sem_alloc : memref<!tpu.dma_semaphore, #tpu.memory_space<semaphore_mem>>
      %dma_start3A = tpu.memref_slice %arg4[%add3A_4] : memref<204800xi32, #tpu.memory_space<hbm>> -> memref<320xi32, #tpu.memory_space<hbm>>
      %dma_start3A_19 = tpu.memref_slice %arg4[%add3A_4] : memref<204800xi32, #tpu.memory_space<hbm>> -> memref<320xi32, #tpu.memory_space<hbm>>
      tpu.enqueue_dma source(%dma_start3A_19 : memref<320xi32, #tpu.memory_space<hbm>>) target(%arg13 : memref<320xi32, #tpu.memory_space<vmem>>) target_semaphore(%run_scoped3A : memref<!tpu.dma_semaphore, #tpu.memory_space<semaphore_mem>>)
      %dma_wait3A_20 = tpu.memref_slice %arg4[%add3A_4] : memref<204800xi32, #tpu.memory_space<hbm>> -> memref<320xi32, #tpu.memory_space<hbm>>
      %dma_wait3A_21 = tpu.memref_slice %arg4[%add3A_4] : memref<204800xi32, #tpu.memory_space<hbm>> -> memref<320xi32, #tpu.memory_space<hbm>>
      tpu.wait_dma2 semaphore(%run_scoped3A : memref<!tpu.dma_semaphore, #tpu.memory_space<semaphore_mem>>) src(%dma_wait3A_21 : memref<320xi32, #tpu.memory_space<hbm>>) dst(%arg13 : memref<320xi32, #tpu.memory_space<vmem>>)
      tpu.yield
    }) : () -> ()
    "tpu.region"() ({
      %run_scoped3A = tpu.sem_alloc : memref<!tpu.dma_semaphore, #tpu.memory_space<semaphore_mem>>
      %dma_start3A = tpu.memref_slice %arg5[%add3A_4] : memref<204800xi32, #tpu.memory_space<hbm>> -> memref<320xi32, #tpu.memory_space<hbm>>
      %dma_start3A_19 = tpu.memref_slice %arg5[%add3A_4] : memref<204800xi32, #tpu.memory_space<hbm>> -> memref<320xi32, #tpu.memory_space<hbm>>
      tpu.enqueue_dma source(%dma_start3A_19 : memref<320xi32, #tpu.memory_space<hbm>>) target(%arg14 : memref<320xi32, #tpu.memory_space<vmem>>) target_semaphore(%run_scoped3A : memref<!tpu.dma_semaphore, #tpu.memory_space<semaphore_mem>>)
      %dma_wait3A_20 = tpu.memref_slice %arg5[%add3A_4] : memref<204800xi32, #tpu.memory_space<hbm>> -> memref<320xi32, #tpu.memory_space<hbm>>
      %dma_wait3A_21 = tpu.memref_slice %arg5[%add3A_4] : memref<204800xi32, #tpu.memory_space<hbm>> -> memref<320xi32, #tpu.memory_space<hbm>>
      tpu.wait_dma2 semaphore(%run_scoped3A : memref<!tpu.dma_semaphore, #tpu.memory_space<semaphore_mem>>) src(%dma_wait3A_21 : memref<320xi32, #tpu.memory_space<hbm>>) dst(%arg14 : memref<320xi32, #tpu.memory_space<vmem>>)
      tpu.yield
    }) : () -> ()
    %add3A_5 = arith.constant 320 : i32
    %add3A_6 = arith.addi %mul3A_2, %add3A_5 : i32
    "tpu.region"() ({
      %run_scoped3A = tpu.sem_alloc : memref<!tpu.dma_semaphore, #tpu.memory_space<semaphore_mem>>
      %dma_start3A = tpu.memref_slice %arg2[%add3A_6] : memref<204800xi32, #tpu.memory_space<hbm>> -> memref<320xi32, #tpu.memory_space<hbm>>
      %dma_start3A_19 = tpu.memref_slice %arg2[%add3A_6] : memref<204800xi32, #tpu.memory_space<hbm>> -> memref<320xi32, #tpu.memory_space<hbm>>
      tpu.enqueue_dma source(%dma_start3A_19 : memref<320xi32, #tpu.memory_space<hbm>>) target(%arg15 : memref<320xi32, #tpu.memory_space<vmem>>) target_semaphore(%run_scoped3A : memref<!tpu.dma_semaphore, #tpu.memory_space<semaphore_mem>>)
      %dma_wait3A_20 = tpu.memref_slice %arg2[%add3A_6] : memref<204800xi32, #tpu.memory_space<hbm>> -> memref<320xi32, #tpu.memory_space<hbm>>
      %dma_wait3A_21 = tpu.memref_slice %arg2[%add3A_6] : memref<204800xi32, #tpu.memory_space<hbm>> -> memref<320xi32, #tpu.memory_space<hbm>>
      tpu.wait_dma2 semaphore(%run_scoped3A : memref<!tpu.dma_semaphore, #tpu.memory_space<semaphore_mem>>) src(%dma_wait3A_21 : memref<320xi32, #tpu.memory_space<hbm>>) dst(%arg15 : memref<320xi32, #tpu.memory_space<vmem>>)
      tpu.yield
    }) : () -> ()
    "tpu.region"() ({
      %run_scoped3A = tpu.sem_alloc : memref<!tpu.dma_semaphore, #tpu.memory_space<semaphore_mem>>
      %dma_start3A = tpu.memref_slice %arg3[%add3A_6] : memref<204800xi32, #tpu.memory_space<hbm>> -> memref<320xi32, #tpu.memory_space<hbm>>
      %dma_start3A_19 = tpu.memref_slice %arg3[%add3A_6] : memref<204800xi32, #tpu.memory_space<hbm>> -> memref<320xi32, #tpu.memory_space<hbm>>
      tpu.enqueue_dma source(%dma_start3A_19 : memref<320xi32, #tpu.memory_space<hbm>>) target(%arg16 : memref<320xi32, #tpu.memory_space<vmem>>) target_semaphore(%run_scoped3A : memref<!tpu.dma_semaphore, #tpu.memory_space<semaphore_mem>>)
      %dma_wait3A_20 = tpu.memref_slice %arg3[%add3A_6] : memref<204800xi32, #tpu.memory_space<hbm>> -> memref<320xi32, #tpu.memory_space<hbm>>
      %dma_wait3A_21 = tpu.memref_slice %arg3[%add3A_6] : memref<204800xi32, #tpu.memory_space<hbm>> -> memref<320xi32, #tpu.memory_space<hbm>>
      tpu.wait_dma2 semaphore(%run_scoped3A : memref<!tpu.dma_semaphore, #tpu.memory_space<semaphore_mem>>) src(%dma_wait3A_21 : memref<320xi32, #tpu.memory_space<hbm>>) dst(%arg16 : memref<320xi32, #tpu.memory_space<vmem>>)
      tpu.yield
    }) : () -> ()
    "tpu.region"() ({
      %run_scoped3A = tpu.sem_alloc : memref<!tpu.dma_semaphore, #tpu.memory_space<semaphore_mem>>
      %dma_start3A = tpu.memref_slice %arg4[%add3A_6] : memref<204800xi32, #tpu.memory_space<hbm>> -> memref<320xi32, #tpu.memory_space<hbm>>
      %dma_start3A_19 = tpu.memref_slice %arg4[%add3A_6] : memref<204800xi32, #tpu.memory_space<hbm>> -> memref<320xi32, #tpu.memory_space<hbm>>
      tpu.enqueue_dma source(%dma_start3A_19 : memref<320xi32, #tpu.memory_space<hbm>>) target(%arg17 : memref<320xi32, #tpu.memory_space<vmem>>) target_semaphore(%run_scoped3A : memref<!tpu.dma_semaphore, #tpu.memory_space<semaphore_mem>>)
      %dma_wait3A_20 = tpu.memref_slice %arg4[%add3A_6] : memref<204800xi32, #tpu.memory_space<hbm>> -> memref<320xi32, #tpu.memory_space<hbm>>
      %dma_wait3A_21 = tpu.memref_slice %arg4[%add3A_6] : memref<204800xi32, #tpu.memory_space<hbm>> -> memref<320xi32, #tpu.memory_space<hbm>>
      tpu.wait_dma2 semaphore(%run_scoped3A : memref<!tpu.dma_semaphore, #tpu.memory_space<semaphore_mem>>) src(%dma_wait3A_21 : memref<320xi32, #tpu.memory_space<hbm>>) dst(%arg17 : memref<320xi32, #tpu.memory_space<vmem>>)
      tpu.yield
    }) : () -> ()
    "tpu.region"() ({
      %run_scoped3A = tpu.sem_alloc : memref<!tpu.dma_semaphore, #tpu.memory_space<semaphore_mem>>
      %dma_start3A = tpu.memref_slice %arg5[%add3A_6] : memref<204800xi32, #tpu.memory_space<hbm>> -> memref<320xi32, #tpu.memory_space<hbm>>
      %dma_start3A_19 = tpu.memref_slice %arg5[%add3A_6] : memref<204800xi32, #tpu.memory_space<hbm>> -> memref<320xi32, #tpu.memory_space<hbm>>
      tpu.enqueue_dma source(%dma_start3A_19 : memref<320xi32, #tpu.memory_space<hbm>>) target(%arg18 : memref<320xi32, #tpu.memory_space<vmem>>) target_semaphore(%run_scoped3A : memref<!tpu.dma_semaphore, #tpu.memory_space<semaphore_mem>>)
      %dma_wait3A_20 = tpu.memref_slice %arg5[%add3A_6] : memref<204800xi32, #tpu.memory_space<hbm>> -> memref<320xi32, #tpu.memory_space<hbm>>
      %dma_wait3A_21 = tpu.memref_slice %arg5[%add3A_6] : memref<204800xi32, #tpu.memory_space<hbm>> -> memref<320xi32, #tpu.memory_space<hbm>>
      tpu.wait_dma2 semaphore(%run_scoped3A : memref<!tpu.dma_semaphore, #tpu.memory_space<semaphore_mem>>) src(%dma_wait3A_21 : memref<320xi32, #tpu.memory_space<hbm>>) dst(%arg18 : memref<320xi32, #tpu.memory_space<vmem>>)
      tpu.yield
    }) : () -> ()
    %scan3A = arith.constant 0 : i32
    %scan3A_7 = arith.constant 0 : i32
    %scan3A_8 = arith.constant 10 : i32
    %scan3A_9 = arith.addi %scan3A_7, %scan3A_8 : i32
    %scan3A_10 = arith.constant 1 : i32
    scf.for %scan3A_19 = %scan3A_7 to %scan3A_9 step %scan3A_10  : i32 {
      %gt3A = arith.constant 0 : i32
      %gt3A_20 = arith.cmpi sgt, %scan3A_19, %gt3A : i32
      %convert_element_type3A = arith.extui %gt3A_20 : i1 to i32
      %cond3A = arith.constant 0 : i32
      %cond3A_21 = arith.cmpi ne, %convert_element_type3A, %cond3A : i32
      scf.if %cond3A_21 {
        %dma_wait3A_103 = arith.constant 0 : i32
        %dma_wait3A_104 = tpu.memref_slice %arg10[%mul3A_2, %dma_wait3A_103] : memref<204800x128xf32, #tpu.memory_space<hbm>> -> memref<320x128xf32, #tpu.memory_space<hbm>>
        %dma_wait3A_105 = arith.constant 0 : i32
        %dma_wait3A_106 = tpu.memref_slice %arg10[%mul3A_2, %dma_wait3A_105] : memref<204800x128xf32, #tpu.memory_space<hbm>> -> memref<320x128xf32, #tpu.memory_space<hbm>>
        tpu.wait_dma2 semaphore(%arg23 : memref<!tpu.dma_semaphore, #tpu.memory_space<semaphore_mem>>) src(%dma_wait3A_106 : memref<320x128xf32, #tpu.memory_space<hbm>>) dst(%arg19 : memref<320x128xf32, #tpu.memory_space<vmem>>)
      } else {
      }
      %mul3A_22 = arith.constant 2 : i32
      %mul3A_23 = arith.muli %mul3A_22, %scan3A_19 : i32
      %mul3A_24 = arith.constant 320 : i32
      %mul3A_25 = arith.muli %mul3A_23, %mul3A_24 : i32
      %add3A_26 = arith.addi %mul3A_2, %mul3A_25 : i32
      %dma_start3A = arith.constant 0 : i32
      %dma_start3A_27 = arith.constant 0 : i32
      %dma_start3A_28 = tpu.memref_slice %arg6[%dma_start3A, %dma_start3A_27] : memref<100000x128xf32, #tpu.memory_space<hbm>> -> memref<100000x128xf32, #tpu.memory_space<hbm>>
      tpu.enqueue_indirect_dma source(%dma_start3A_28 : memref<100000x128xf32, #tpu.memory_space<hbm>>) target(%arg19 : memref<320x128xf32, #tpu.memory_space<vmem>>) offsets(%arg11 : memref<320xi32, #tpu.memory_space<vmem>>) semaphore(%arg21 : memref<!tpu.dma_semaphore, #tpu.memory_space<semaphore_mem>>)
      %dma_wait3A_29 = arith.constant 0 : i32
      %dma_wait3A_30 = arith.constant 0 : i32
      %dma_wait3A_31 = tpu.memref_slice %arg6[%dma_wait3A_29, %dma_wait3A_30] : memref<100000x128xf32, #tpu.memory_space<hbm>> -> memref<100000x128xf32, #tpu.memory_space<hbm>>
      tpu.wait_indirect_dma semaphore(%arg21 : memref<!tpu.dma_semaphore, #tpu.memory_space<semaphore_mem>>) src(%dma_wait3A_31 : memref<100000x128xf32, #tpu.memory_space<hbm>>) dst(%arg19 : memref<320x128xf32, #tpu.memory_space<vmem>>)
      %dma_start3A_32 = arith.constant 0 : i32
      %dma_start3A_33 = arith.constant 0 : i32
      %dma_start3A_34 = tpu.memref_slice %arg7[%dma_start3A_32, %dma_start3A_33] : memref<100000x128xf32, #tpu.memory_space<hbm>> -> memref<100000x128xf32, #tpu.memory_space<hbm>>
      tpu.enqueue_indirect_dma source(%dma_start3A_34 : memref<100000x128xf32, #tpu.memory_space<hbm>>) target(%arg19 : memref<320x128xf32, #tpu.memory_space<vmem>>) offsets(%arg12 : memref<320xi32, #tpu.memory_space<vmem>>) semaphore(%arg21 : memref<!tpu.dma_semaphore, #tpu.memory_space<semaphore_mem>>) {add = true}
      %dma_start3A_35 = arith.constant 0 : i32
      %dma_start3A_36 = arith.constant 0 : i32
      %dma_start3A_37 = tpu.memref_slice %arg8[%dma_start3A_35, %dma_start3A_36] : memref<1000x128xf32, #tpu.memory_space<hbm>> -> memref<1000x128xf32, #tpu.memory_space<hbm>>
      tpu.enqueue_indirect_dma source(%dma_start3A_37 : memref<1000x128xf32, #tpu.memory_space<hbm>>) target(%arg19 : memref<320x128xf32, #tpu.memory_space<vmem>>) offsets(%arg13 : memref<320xi32, #tpu.memory_space<vmem>>) semaphore(%arg21 : memref<!tpu.dma_semaphore, #tpu.memory_space<semaphore_mem>>) {add = true}
      %dma_start3A_38 = arith.constant 0 : i32
      %dma_start3A_39 = arith.constant 0 : i32
      %dma_start3A_40 = tpu.memref_slice %arg9[%dma_start3A_38, %dma_start3A_39] : memref<100x128xf32, #tpu.memory_space<hbm>> -> memref<100x128xf32, #tpu.memory_space<hbm>>
      tpu.enqueue_indirect_dma source(%dma_start3A_40 : memref<100x128xf32, #tpu.memory_space<hbm>>) target(%arg19 : memref<320x128xf32, #tpu.memory_space<vmem>>) offsets(%arg14 : memref<320xi32, #tpu.memory_space<vmem>>) semaphore(%arg21 : memref<!tpu.dma_semaphore, #tpu.memory_space<semaphore_mem>>) {add = true}
      %dma_wait3A_41 = arith.constant 0 : i32
      %dma_wait3A_42 = arith.constant 0 : i32
      %dma_wait3A_43 = tpu.memref_slice %arg7[%dma_wait3A_41, %dma_wait3A_42] : memref<100000x128xf32, #tpu.memory_space<hbm>> -> memref<100000x128xf32, #tpu.memory_space<hbm>>
      tpu.wait_indirect_dma semaphore(%arg21 : memref<!tpu.dma_semaphore, #tpu.memory_space<semaphore_mem>>) src(%dma_wait3A_43 : memref<100000x128xf32, #tpu.memory_space<hbm>>) dst(%arg19 : memref<320x128xf32, #tpu.memory_space<vmem>>)
      %dma_wait3A_44 = arith.constant 0 : i32
      %dma_wait3A_45 = arith.constant 0 : i32
      %dma_wait3A_46 = tpu.memref_slice %arg8[%dma_wait3A_44, %dma_wait3A_45] : memref<1000x128xf32, #tpu.memory_space<hbm>> -> memref<1000x128xf32, #tpu.memory_space<hbm>>
      tpu.wait_indirect_dma semaphore(%arg21 : memref<!tpu.dma_semaphore, #tpu.memory_space<semaphore_mem>>) src(%dma_wait3A_46 : memref<1000x128xf32, #tpu.memory_space<hbm>>) dst(%arg19 : memref<320x128xf32, #tpu.memory_space<vmem>>)
      %dma_wait3A_47 = arith.constant 0 : i32
      %dma_wait3A_48 = arith.constant 0 : i32
      %dma_wait3A_49 = tpu.memref_slice %arg9[%dma_wait3A_47, %dma_wait3A_48] : memref<100x128xf32, #tpu.memory_space<hbm>> -> memref<100x128xf32, #tpu.memory_space<hbm>>
      tpu.wait_indirect_dma semaphore(%arg21 : memref<!tpu.dma_semaphore, #tpu.memory_space<semaphore_mem>>) src(%dma_wait3A_49 : memref<100x128xf32, #tpu.memory_space<hbm>>) dst(%arg19 : memref<320x128xf32, #tpu.memory_space<vmem>>)
      %dma_start3A_50 = arith.constant 0 : i32
      %dma_start3A_51 = tpu.memref_slice %arg10[%add3A_26, %dma_start3A_50] : memref<204800x128xf32, #tpu.memory_space<hbm>> -> memref<320x128xf32, #tpu.memory_space<hbm>>
      %dma_start3A_52 = arith.constant 0 : i32
      %dma_start3A_53 = tpu.memref_slice %arg10[%add3A_26, %dma_start3A_52] : memref<204800x128xf32, #tpu.memory_space<hbm>> -> memref<320x128xf32, #tpu.memory_space<hbm>>
      tpu.enqueue_dma source(%arg19 : memref<320x128xf32, #tpu.memory_space<vmem>>) target(%dma_start3A_53 : memref<320x128xf32, #tpu.memory_space<hbm>>) target_semaphore(%arg23 : memref<!tpu.dma_semaphore, #tpu.memory_space<semaphore_mem>>)
      %lt3A = arith.constant 9 : i32
      %lt3A_54 = arith.cmpi slt, %scan3A_19, %lt3A : i32
      %convert_element_type3A_55 = arith.extui %lt3A_54 : i1 to i32
      %cond3A_56 = arith.constant 0 : i32
      %cond3A_57 = arith.cmpi ne, %convert_element_type3A_55, %cond3A_56 : i32
      scf.if %cond3A_57 {
        %mul3A_103 = arith.constant 2 : i32
        %mul3A_104 = arith.muli %mul3A_103, %scan3A_19 : i32
        %add3A_105 = arith.constant 2 : i32
        %add3A_106 = arith.addi %mul3A_104, %add3A_105 : i32
        %mul3A_107 = arith.constant 320 : i32
        %mul3A_108 = arith.muli %add3A_106, %mul3A_107 : i32
        %add3A_109 = arith.addi %mul3A_2, %mul3A_108 : i32
        %dma_start3A_110 = tpu.memref_slice %arg2[%add3A_109] : memref<204800xi32, #tpu.memory_space<hbm>> -> memref<320xi32, #tpu.memory_space<hbm>>
        %dma_start3A_111 = tpu.memref_slice %arg2[%add3A_109] : memref<204800xi32, #tpu.memory_space<hbm>> -> memref<320xi32, #tpu.memory_space<hbm>>
        tpu.enqueue_dma source(%dma_start3A_111 : memref<320xi32, #tpu.memory_space<hbm>>) target(%arg11 : memref<320xi32, #tpu.memory_space<vmem>>) target_semaphore(%arg22 : memref<!tpu.dma_semaphore, #tpu.memory_space<semaphore_mem>>)
        %dma_start3A_112 = tpu.memref_slice %arg3[%add3A_109] : memref<204800xi32, #tpu.memory_space<hbm>> -> memref<320xi32, #tpu.memory_space<hbm>>
        %dma_start3A_113 = tpu.memref_slice %arg3[%add3A_109] : memref<204800xi32, #tpu.memory_space<hbm>> -> memref<320xi32, #tpu.memory_space<hbm>>
        tpu.enqueue_dma source(%dma_start3A_113 : memref<320xi32, #tpu.memory_space<hbm>>) target(%arg12 : memref<320xi32, #tpu.memory_space<vmem>>) target_semaphore(%arg22 : memref<!tpu.dma_semaphore, #tpu.memory_space<semaphore_mem>>)
        %dma_start3A_114 = tpu.memref_slice %arg4[%add3A_109] : memref<204800xi32, #tpu.memory_space<hbm>> -> memref<320xi32, #tpu.memory_space<hbm>>
        %dma_start3A_115 = tpu.memref_slice %arg4[%add3A_109] : memref<204800xi32, #tpu.memory_space<hbm>> -> memref<320xi32, #tpu.memory_space<hbm>>
        tpu.enqueue_dma source(%dma_start3A_115 : memref<320xi32, #tpu.memory_space<hbm>>) target(%arg13 : memref<320xi32, #tpu.memory_space<vmem>>) target_semaphore(%arg22 : memref<!tpu.dma_semaphore, #tpu.memory_space<semaphore_mem>>)
        %dma_start3A_116 = tpu.memref_slice %arg5[%add3A_109] : memref<204800xi32, #tpu.memory_space<hbm>> -> memref<320xi32, #tpu.memory_space<hbm>>
        %dma_start3A_117 = tpu.memref_slice %arg5[%add3A_109] : memref<204800xi32, #tpu.memory_space<hbm>> -> memref<320xi32, #tpu.memory_space<hbm>>
        tpu.enqueue_dma source(%dma_start3A_117 : memref<320xi32, #tpu.memory_space<hbm>>) target(%arg14 : memref<320xi32, #tpu.memory_space<vmem>>) target_semaphore(%arg22 : memref<!tpu.dma_semaphore, #tpu.memory_space<semaphore_mem>>)
      } else {
      }
      %gt3A_58 = arith.constant 0 : i32
      %gt3A_59 = arith.cmpi sgt, %scan3A_19, %gt3A_58 : i32
      %convert_element_type3A_60 = arith.extui %gt3A_59 : i1 to i32
      %cond3A_61 = arith.constant 0 : i32
      %cond3A_62 = arith.cmpi ne, %convert_element_type3A_60, %cond3A_61 : i32
      scf.if %cond3A_62 {
        %dma_wait3A_103 = arith.constant 0 : i32
        %dma_wait3A_104 = tpu.memref_slice %arg10[%mul3A_2, %dma_wait3A_103] : memref<204800x128xf32, #tpu.memory_space<hbm>> -> memref<320x128xf32, #tpu.memory_space<hbm>>
        %dma_wait3A_105 = arith.constant 0 : i32
        %dma_wait3A_106 = tpu.memref_slice %arg10[%mul3A_2, %dma_wait3A_105] : memref<204800x128xf32, #tpu.memory_space<hbm>> -> memref<320x128xf32, #tpu.memory_space<hbm>>
        tpu.wait_dma2 semaphore(%arg24 : memref<!tpu.dma_semaphore, #tpu.memory_space<semaphore_mem>>) src(%dma_wait3A_106 : memref<320x128xf32, #tpu.memory_space<hbm>>) dst(%arg20 : memref<320x128xf32, #tpu.memory_space<vmem>>)
      } else {
      }
      %mul3A_63 = arith.constant 2 : i32
      %mul3A_64 = arith.muli %mul3A_63, %scan3A_19 : i32
      %add3A_65 = arith.constant 1 : i32
      %add3A_66 = arith.addi %mul3A_64, %add3A_65 : i32
      %mul3A_67 = arith.constant 320 : i32
      %mul3A_68 = arith.muli %add3A_66, %mul3A_67 : i32
      %add3A_69 = arith.addi %mul3A_2, %mul3A_68 : i32
      %dma_start3A_70 = arith.constant 0 : i32
      %dma_start3A_71 = arith.constant 0 : i32
      %dma_start3A_72 = tpu.memref_slice %arg6[%dma_start3A_70, %dma_start3A_71] : memref<100000x128xf32, #tpu.memory_space<hbm>> -> memref<100000x128xf32, #tpu.memory_space<hbm>>
      tpu.enqueue_indirect_dma source(%dma_start3A_72 : memref<100000x128xf32, #tpu.memory_space<hbm>>) target(%arg20 : memref<320x128xf32, #tpu.memory_space<vmem>>) offsets(%arg15 : memref<320xi32, #tpu.memory_space<vmem>>) semaphore(%arg21 : memref<!tpu.dma_semaphore, #tpu.memory_space<semaphore_mem>>)
      %dma_wait3A_73 = arith.constant 0 : i32
      %dma_wait3A_74 = arith.constant 0 : i32
      %dma_wait3A_75 = tpu.memref_slice %arg6[%dma_wait3A_73, %dma_wait3A_74] : memref<100000x128xf32, #tpu.memory_space<hbm>> -> memref<100000x128xf32, #tpu.memory_space<hbm>>
      tpu.wait_indirect_dma semaphore(%arg21 : memref<!tpu.dma_semaphore, #tpu.memory_space<semaphore_mem>>) src(%dma_wait3A_75 : memref<100000x128xf32, #tpu.memory_space<hbm>>) dst(%arg20 : memref<320x128xf32, #tpu.memory_space<vmem>>)
      %dma_start3A_76 = arith.constant 0 : i32
      %dma_start3A_77 = arith.constant 0 : i32
      %dma_start3A_78 = tpu.memref_slice %arg7[%dma_start3A_76, %dma_start3A_77] : memref<100000x128xf32, #tpu.memory_space<hbm>> -> memref<100000x128xf32, #tpu.memory_space<hbm>>
      tpu.enqueue_indirect_dma source(%dma_start3A_78 : memref<100000x128xf32, #tpu.memory_space<hbm>>) target(%arg20 : memref<320x128xf32, #tpu.memory_space<vmem>>) offsets(%arg16 : memref<320xi32, #tpu.memory_space<vmem>>) semaphore(%arg21 : memref<!tpu.dma_semaphore, #tpu.memory_space<semaphore_mem>>) {add = true}
      %dma_start3A_79 = arith.constant 0 : i32
      %dma_start3A_80 = arith.constant 0 : i32
      %dma_start3A_81 = tpu.memref_slice %arg8[%dma_start3A_79, %dma_start3A_80] : memref<1000x128xf32, #tpu.memory_space<hbm>> -> memref<1000x128xf32, #tpu.memory_space<hbm>>
      tpu.enqueue_indirect_dma source(%dma_start3A_81 : memref<1000x128xf32, #tpu.memory_space<hbm>>) target(%arg20 : memref<320x128xf32, #tpu.memory_space<vmem>>) offsets(%arg17 : memref<320xi32, #tpu.memory_space<vmem>>) semaphore(%arg21 : memref<!tpu.dma_semaphore, #tpu.memory_space<semaphore_mem>>) {add = true}
      %dma_start3A_82 = arith.constant 0 : i32
      %dma_start3A_83 = arith.constant 0 : i32
      %dma_start3A_84 = tpu.memref_slice %arg9[%dma_start3A_82, %dma_start3A_83] : memref<100x128xf32, #tpu.memory_space<hbm>> -> memref<100x128xf32, #tpu.memory_space<hbm>>
      tpu.enqueue_indirect_dma source(%dma_start3A_84 : memref<100x128xf32, #tpu.memory_space<hbm>>) target(%arg20 : memref<320x128xf32, #tpu.memory_space<vmem>>) offsets(%arg18 : memref<320xi32, #tpu.memory_space<vmem>>) semaphore(%arg21 : memref<!tpu.dma_semaphore, #tpu.memory_space<semaphore_mem>>) {add = true}
      %dma_wait3A_85 = arith.constant 0 : i32
      %dma_wait3A_86 = arith.constant 0 : i32
      %dma_wait3A_87 = tpu.memref_slice %arg7[%dma_wait3A_85, %dma_wait3A_86] : memref<100000x128xf32, #tpu.memory_space<hbm>> -> memref<100000x128xf32, #tpu.memory_space<hbm>>
      tpu.wait_indirect_dma semaphore(%arg21 : memref<!tpu.dma_semaphore, #tpu.memory_space<semaphore_mem>>) src(%dma_wait3A_87 : memref<100000x128xf32, #tpu.memory_space<hbm>>) dst(%arg20 : memref<320x128xf32, #tpu.memory_space<vmem>>)
      %dma_wait3A_88 = arith.constant 0 : i32
      %dma_wait3A_89 = arith.constant 0 : i32
      %dma_wait3A_90 = tpu.memref_slice %arg8[%dma_wait3A_88, %dma_wait3A_89] : memref<1000x128xf32, #tpu.memory_space<hbm>> -> memref<1000x128xf32, #tpu.memory_space<hbm>>
      tpu.wait_indirect_dma semaphore(%arg21 : memref<!tpu.dma_semaphore, #tpu.memory_space<semaphore_mem>>) src(%dma_wait3A_90 : memref<1000x128xf32, #tpu.memory_space<hbm>>) dst(%arg20 : memref<320x128xf32, #tpu.memory_space<vmem>>)
      %dma_wait3A_91 = arith.constant 0 : i32
      %dma_wait3A_92 = arith.constant 0 : i32
      %dma_wait3A_93 = tpu.memref_slice %arg9[%dma_wait3A_91, %dma_wait3A_92] : memref<100x128xf32, #tpu.memory_space<hbm>> -> memref<100x128xf32, #tpu.memory_space<hbm>>
      tpu.wait_indirect_dma semaphore(%arg21 : memref<!tpu.dma_semaphore, #tpu.memory_space<semaphore_mem>>) src(%dma_wait3A_93 : memref<100x128xf32, #tpu.memory_space<hbm>>) dst(%arg20 : memref<320x128xf32, #tpu.memory_space<vmem>>)
      %dma_start3A_94 = arith.constant 0 : i32
      %dma_start3A_95 = tpu.memref_slice %arg10[%add3A_69, %dma_start3A_94] : memref<204800x128xf32, #tpu.memory_space<hbm>> -> memref<320x128xf32, #tpu.memory_space<hbm>>
      %dma_start3A_96 = arith.constant 0 : i32
      %dma_start3A_97 = tpu.memref_slice %arg10[%add3A_69, %dma_start3A_96] : memref<204800x128xf32, #tpu.memory_space<hbm>> -> memref<320x128xf32, #tpu.memory_space<hbm>>
      tpu.enqueue_dma source(%arg20 : memref<320x128xf32, #tpu.memory_space<vmem>>) target(%dma_start3A_97 : memref<320x128xf32, #tpu.memory_space<hbm>>) target_semaphore(%arg24 : memref<!tpu.dma_semaphore, #tpu.memory_space<semaphore_mem>>)
      %lt3A_98 = arith.constant 9 : i32
      %lt3A_99 = arith.cmpi slt, %scan3A_19, %lt3A_98 : i32
      %convert_element_type3A_100 = arith.extui %lt3A_99 : i1 to i32
      %cond3A_101 = arith.constant 0 : i32
      %cond3A_102 = arith.cmpi ne, %convert_element_type3A_100, %cond3A_101 : i32
      scf.if %cond3A_102 {
        %mul3A_103 = arith.constant 2 : i32
        %mul3A_104 = arith.muli %mul3A_103, %scan3A_19 : i32
        %add3A_105 = arith.constant 3 : i32
        %add3A_106 = arith.addi %mul3A_104, %add3A_105 : i32
        %mul3A_107 = arith.constant 320 : i32
        %mul3A_108 = arith.muli %add3A_106, %mul3A_107 : i32
        %add3A_109 = arith.addi %mul3A_2, %mul3A_108 : i32
        %dma_start3A_110 = tpu.memref_slice %arg2[%add3A_109] : memref<204800xi32, #tpu.memory_space<hbm>> -> memref<320xi32, #tpu.memory_space<hbm>>
        %dma_start3A_111 = tpu.memref_slice %arg2[%add3A_109] : memref<204800xi32, #tpu.memory_space<hbm>> -> memref<320xi32, #tpu.memory_space<hbm>>
        tpu.enqueue_dma source(%dma_start3A_111 : memref<320xi32, #tpu.memory_space<hbm>>) target(%arg15 : memref<320xi32, #tpu.memory_space<vmem>>) target_semaphore(%arg22 : memref<!tpu.dma_semaphore, #tpu.memory_space<semaphore_mem>>)
        %dma_start3A_112 = tpu.memref_slice %arg3[%add3A_109] : memref<204800xi32, #tpu.memory_space<hbm>> -> memref<320xi32, #tpu.memory_space<hbm>>
        %dma_start3A_113 = tpu.memref_slice %arg3[%add3A_109] : memref<204800xi32, #tpu.memory_space<hbm>> -> memref<320xi32, #tpu.memory_space<hbm>>
        tpu.enqueue_dma source(%dma_start3A_113 : memref<320xi32, #tpu.memory_space<hbm>>) target(%arg16 : memref<320xi32, #tpu.memory_space<vmem>>) target_semaphore(%arg22 : memref<!tpu.dma_semaphore, #tpu.memory_space<semaphore_mem>>)
        %dma_start3A_114 = tpu.memref_slice %arg4[%add3A_109] : memref<204800xi32, #tpu.memory_space<hbm>> -> memref<320xi32, #tpu.memory_space<hbm>>
        %dma_start3A_115 = tpu.memref_slice %arg4[%add3A_109] : memref<204800xi32, #tpu.memory_space<hbm>> -> memref<320xi32, #tpu.memory_space<hbm>>
        tpu.enqueue_dma source(%dma_start3A_115 : memref<320xi32, #tpu.memory_space<hbm>>) target(%arg17 : memref<320xi32, #tpu.memory_space<vmem>>) target_semaphore(%arg22 : memref<!tpu.dma_semaphore, #tpu.memory_space<semaphore_mem>>)
        %dma_start3A_116 = tpu.memref_slice %arg5[%add3A_109] : memref<204800xi32, #tpu.memory_space<hbm>> -> memref<320xi32, #tpu.memory_space<hbm>>
        %dma_start3A_117 = tpu.memref_slice %arg5[%add3A_109] : memref<204800xi32, #tpu.memory_space<hbm>> -> memref<320xi32, #tpu.memory_space<hbm>>
        tpu.enqueue_dma source(%dma_start3A_117 : memref<320xi32, #tpu.memory_space<hbm>>) target(%arg18 : memref<320xi32, #tpu.memory_space<vmem>>) target_semaphore(%arg22 : memref<!tpu.dma_semaphore, #tpu.memory_space<semaphore_mem>>)
        %dma_wait3A_118 = tpu.memref_slice %arg2[%mul3A_2] : memref<204800xi32, #tpu.memory_space<hbm>> -> memref<320xi32, #tpu.memory_space<hbm>>
        %dma_wait3A_119 = tpu.memref_slice %arg2[%mul3A_2] : memref<204800xi32, #tpu.memory_space<hbm>> -> memref<320xi32, #tpu.memory_space<hbm>>
        tpu.wait_dma2 semaphore(%arg22 : memref<!tpu.dma_semaphore, #tpu.memory_space<semaphore_mem>>) src(%dma_wait3A_119 : memref<320xi32, #tpu.memory_space<hbm>>) dst(%arg11 : memref<320xi32, #tpu.memory_space<vmem>>)
        %dma_wait3A_120 = tpu.memref_slice %arg2[%mul3A_2] : memref<204800xi32, #tpu.memory_space<hbm>> -> memref<320xi32, #tpu.memory_space<hbm>>
        %dma_wait3A_121 = tpu.memref_slice %arg2[%mul3A_2] : memref<204800xi32, #tpu.memory_space<hbm>> -> memref<320xi32, #tpu.memory_space<hbm>>
        tpu.wait_dma2 semaphore(%arg22 : memref<!tpu.dma_semaphore, #tpu.memory_space<semaphore_mem>>) src(%dma_wait3A_121 : memref<320xi32, #tpu.memory_space<hbm>>) dst(%arg11 : memref<320xi32, #tpu.memory_space<vmem>>)
        %dma_wait3A_122 = tpu.memref_slice %arg2[%mul3A_2] : memref<204800xi32, #tpu.memory_space<hbm>> -> memref<320xi32, #tpu.memory_space<hbm>>
        %dma_wait3A_123 = tpu.memref_slice %arg2[%mul3A_2] : memref<204800xi32, #tpu.memory_space<hbm>> -> memref<320xi32, #tpu.memory_space<hbm>>
        tpu.wait_dma2 semaphore(%arg22 : memref<!tpu.dma_semaphore, #tpu.memory_space<semaphore_mem>>) src(%dma_wait3A_123 : memref<320xi32, #tpu.memory_space<hbm>>) dst(%arg11 : memref<320xi32, #tpu.memory_space<vmem>>)
        %dma_wait3A_124 = tpu.memref_slice %arg2[%mul3A_2] : memref<204800xi32, #tpu.memory_space<hbm>> -> memref<320xi32, #tpu.memory_space<hbm>>
        %dma_wait3A_125 = tpu.memref_slice %arg2[%mul3A_2] : memref<204800xi32, #tpu.memory_space<hbm>> -> memref<320xi32, #tpu.memory_space<hbm>>
        tpu.wait_dma2 semaphore(%arg22 : memref<!tpu.dma_semaphore, #tpu.memory_space<semaphore_mem>>) src(%dma_wait3A_125 : memref<320xi32, #tpu.memory_space<hbm>>) dst(%arg11 : memref<320xi32, #tpu.memory_space<vmem>>)
        %dma_wait3A_126 = tpu.memref_slice %arg2[%mul3A_2] : memref<204800xi32, #tpu.memory_space<hbm>> -> memref<320xi32, #tpu.memory_space<hbm>>
        %dma_wait3A_127 = tpu.memref_slice %arg2[%mul3A_2] : memref<204800xi32, #tpu.memory_space<hbm>> -> memref<320xi32, #tpu.memory_space<hbm>>
        tpu.wait_dma2 semaphore(%arg22 : memref<!tpu.dma_semaphore, #tpu.memory_space<semaphore_mem>>) src(%dma_wait3A_127 : memref<320xi32, #tpu.memory_space<hbm>>) dst(%arg11 : memref<320xi32, #tpu.memory_space<vmem>>)
        %dma_wait3A_128 = tpu.memref_slice %arg2[%mul3A_2] : memref<204800xi32, #tpu.memory_space<hbm>> -> memref<320xi32, #tpu.memory_space<hbm>>
        %dma_wait3A_129 = tpu.memref_slice %arg2[%mul3A_2] : memref<204800xi32, #tpu.memory_space<hbm>> -> memref<320xi32, #tpu.memory_space<hbm>>
        tpu.wait_dma2 semaphore(%arg22 : memref<!tpu.dma_semaphore, #tpu.memory_space<semaphore_mem>>) src(%dma_wait3A_129 : memref<320xi32, #tpu.memory_space<hbm>>) dst(%arg11 : memref<320xi32, #tpu.memory_space<vmem>>)
        %dma_wait3A_130 = tpu.memref_slice %arg2[%mul3A_2] : memref<204800xi32, #tpu.memory_space<hbm>> -> memref<320xi32, #tpu.memory_space<hbm>>
        %dma_wait3A_131 = tpu.memref_slice %arg2[%mul3A_2] : memref<204800xi32, #tpu.memory_space<hbm>> -> memref<320xi32, #tpu.memory_space<hbm>>
        tpu.wait_dma2 semaphore(%arg22 : memref<!tpu.dma_semaphore, #tpu.memory_space<semaphore_mem>>) src(%dma_wait3A_131 : memref<320xi32, #tpu.memory_space<hbm>>) dst(%arg11 : memref<320xi32, #tpu.memory_space<vmem>>)
        %dma_wait3A_132 = tpu.memref_slice %arg2[%mul3A_2] : memref<204800xi32, #tpu.memory_space<hbm>> -> memref<320xi32, #tpu.memory_space<hbm>>
        %dma_wait3A_133 = tpu.memref_slice %arg2[%mul3A_2] : memref<204800xi32, #tpu.memory_space<hbm>> -> memref<320xi32, #tpu.memory_space<hbm>>
        tpu.wait_dma2 semaphore(%arg22 : memref<!tpu.dma_semaphore, #tpu.memory_space<semaphore_mem>>) src(%dma_wait3A_133 : memref<320xi32, #tpu.memory_space<hbm>>) dst(%arg11 : memref<320xi32, #tpu.memory_space<vmem>>)
      } else {
      }
    }
    %scan3A_11 = arith.constant 10 : i32
    %dma_wait3A = arith.constant 0 : i32
    %dma_wait3A_12 = tpu.memref_slice %arg10[%mul3A_2, %dma_wait3A] : memref<204800x128xf32, #tpu.memory_space<hbm>> -> memref<320x128xf32, #tpu.memory_space<hbm>>
    %dma_wait3A_13 = arith.constant 0 : i32
    %dma_wait3A_14 = tpu.memref_slice %arg10[%mul3A_2, %dma_wait3A_13] : memref<204800x128xf32, #tpu.memory_space<hbm>> -> memref<320x128xf32, #tpu.memory_space<hbm>>
    tpu.wait_dma2 semaphore(%arg23 : memref<!tpu.dma_semaphore, #tpu.memory_space<semaphore_mem>>) src(%dma_wait3A_14 : memref<320x128xf32, #tpu.memory_space<hbm>>) dst(%arg19 : memref<320x128xf32, #tpu.memory_space<vmem>>)
    %dma_wait3A_15 = arith.constant 0 : i32
    %dma_wait3A_16 = tpu.memref_slice %arg10[%mul3A_2, %dma_wait3A_15] : memref<204800x128xf32, #tpu.memory_space<hbm>> -> memref<320x128xf32, #tpu.memory_space<hbm>>
    %dma_wait3A_17 = arith.constant 0 : i32
    %dma_wait3A_18 = tpu.memref_slice %arg10[%mul3A_2, %dma_wait3A_17] : memref<204800x128xf32, #tpu.memory_space<hbm>> -> memref<320x128xf32, #tpu.memory_space<hbm>>
    tpu.wait_dma2 semaphore(%arg24 : memref<!tpu.dma_semaphore, #tpu.memory_space<semaphore_mem>>) src(%dma_wait3A_18 : memref<320x128xf32, #tpu.memory_space<hbm>>) dst(%arg20 : memref<320x128xf32, #tpu.memory_space<vmem>>)
    return
  }
}

module attributes {stable_mosaic.version = 14 : i64} {
  func.func @body(%arg0: i32, %arg1: memref<32x1000xf32, #tpu.memory_space<vmem>>, %arg2: memref<1000x128xf32, #tpu.memory_space<vmem>>) attributes {dimension_semantics = [#tpu.dimension_semantics<arbitrary>], iteration_bounds = array<i64: 1>, scalar_prefetch = 0 : i64, scratch_operands = 0 : i64, tpu.core_type = #tpu.core_type<tc>, window_params = [{transform_indices = @transform_0, window_bounds = array<i64: 32, 1000>}, {transform_indices = @transform_1, window_bounds = array<i64: 1000, 128>}]} {
    %get3A = arith.constant 0 : index
    %get3A_0 = arith.constant 0 : index
    %get3A_1 = vector.load %arg1[%get3A, %get3A_0] : memref<32x1000xf32, #tpu.memory_space<vmem>>, vector<32x1000xf32>
    %transpose3A = tpu.transpose %get3A_1, [1, 0] : vector<32x1000xf32> -> vector<1000x32xf32>
    %broadcast_in_dim3A = arith.constant 0.000000e+00 : f32
    %broadcast_in_dim3A_2 = vector.broadcast %broadcast_in_dim3A : f32 to vector<1000x32xf32>
    %concatenate3A = tpu.concatenate %broadcast_in_dim3A_2, %broadcast_in_dim3A_2, %transpose3A, %broadcast_in_dim3A_2 in 1 : vector<1000x32xf32>, vector<1000x32xf32>, vector<1000x32xf32>, vector<1000x32xf32> -> vector<1000x128xf32>
    %swap3A = arith.constant 0 : index
    %swap3A_3 = arith.constant 0 : index
    %swap3A_4 = vector.load %arg2[%swap3A, %swap3A_3] : memref<1000x128xf32, #tpu.memory_space<vmem>>, vector<1000x128xf32>
    tpu.vector_store %arg2[%swap3A, %swap3A_3], %concatenate3A {strides = array<i32>} : memref<1000x128xf32, #tpu.memory_space<vmem>>, vector<1000x128xf32>,
    return
  }
  func.func @transform_0(%arg0: i32) -> (i32, i32) {
    %c0_i32 = arith.constant 0 : i32
    %c0_i32_0 = arith.constant 0 : i32
    return %c0_i32, %arg0 : i32, i32
  }
  func.func @transform_1(%arg0: i32) -> (i32, i32) {
    %c0_i32 = arith.constant 0 : i32
    %c0_i32_0 = arith.constant 0 : i32
    return %arg0, %c0_i32 : i32, i32
  }
}

module attributes {stable_mosaic.version = 14 : i64} {
  func.func @body(%arg0: i32, %arg1: memref<32x2048xf32, #tpu.memory_space<vmem>>, %arg2: memref<2048x128xf32, #tpu.memory_space<vmem>>) attributes {dimension_semantics = [#tpu.dimension_semantics<arbitrary>], iteration_bounds = array<i64: 49>, scalar_prefetch = 0 : i64, scratch_operands = 0 : i64, tpu.core_type = #tpu.core_type<tc>, window_params = [{transform_indices = @transform_0, window_bounds = array<i64: 32, 2048>}, {transform_indices = @transform_1, window_bounds = array<i64: 2048, 128>}]} {
    %get3A = arith.constant 0 : index
    %get3A_0 = arith.constant 0 : index
    %get3A_1 = vector.load %arg1[%get3A, %get3A_0] : memref<32x2048xf32, #tpu.memory_space<vmem>>, vector<32x2048xf32>
    %transpose3A = tpu.transpose %get3A_1, [1, 0] : vector<32x2048xf32> -> vector<2048x32xf32>
    %broadcast_in_dim3A = arith.constant 0.000000e+00 : f32
    %broadcast_in_dim3A_2 = vector.broadcast %broadcast_in_dim3A : f32 to vector<2048x32xf32>
    %concatenate3A = tpu.concatenate %broadcast_in_dim3A_2, %transpose3A, %broadcast_in_dim3A_2, %broadcast_in_dim3A_2 in 1 : vector<2048x32xf32>, vector<2048x32xf32>, vector<2048x32xf32>, vector<2048x32xf32> -> vector<2048x128xf32>
    %swap3A = arith.constant 0 : index
    %swap3A_3 = arith.constant 0 : index
    %swap3A_4 = vector.load %arg2[%swap3A, %swap3A_3] : memref<2048x128xf32, #tpu.memory_space<vmem>>, vector<2048x128xf32>
    tpu.vector_store %arg2[%swap3A, %swap3A_3], %concatenate3A {strides = array<i32>} : memref<2048x128xf32, #tpu.memory_space<vmem>>, vector<2048x128xf32>,
    return
  }
  func.func @transform_0(%arg0: i32) -> (i32, i32) {
    %c0_i32 = arith.constant 0 : i32
    %c0_i32_0 = arith.constant 0 : i32
    return %c0_i32, %arg0 : i32, i32
  }
  func.func @transform_1(%arg0: i32) -> (i32, i32) {
    %c0_i32 = arith.constant 0 : i32
    %c0_i32_0 = arith.constant 0 : i32
    return %arg0, %c0_i32 : i32, i32
  }
}

module attributes {stable_mosaic.version = 14 : i64} {
  func.func @body(%arg0: i32, %arg1: memref<32x2048xf32, #tpu.memory_space<vmem>>, %arg2: memref<2048x128xf32, #tpu.memory_space<vmem>>) attributes {dimension_semantics = [#tpu.dimension_semantics<arbitrary>], iteration_bounds = array<i64: 49>, scalar_prefetch = 0 : i64, scratch_operands = 0 : i64, tpu.core_type = #tpu.core_type<tc>, window_params = [{transform_indices = @transform_0, window_bounds = array<i64: 32, 2048>}, {transform_indices = @transform_1, window_bounds = array<i64: 2048, 128>}]} {
    %get3A = arith.constant 0 : index
    %get3A_0 = arith.constant 0 : index
    %get3A_1 = vector.load %arg1[%get3A, %get3A_0] : memref<32x2048xf32, #tpu.memory_space<vmem>>, vector<32x2048xf32>
    %transpose3A = tpu.transpose %get3A_1, [1, 0] : vector<32x2048xf32> -> vector<2048x32xf32>
    %broadcast_in_dim3A = arith.constant 0.000000e+00 : f32
    %broadcast_in_dim3A_2 = vector.broadcast %broadcast_in_dim3A : f32 to vector<2048x32xf32>
    %concatenate3A = tpu.concatenate %transpose3A, %broadcast_in_dim3A_2, %broadcast_in_dim3A_2, %broadcast_in_dim3A_2 in 1 : vector<2048x32xf32>, vector<2048x32xf32>, vector<2048x32xf32>, vector<2048x32xf32> -> vector<2048x128xf32>
    %swap3A = arith.constant 0 : index
    %swap3A_3 = arith.constant 0 : index
    %swap3A_4 = vector.load %arg2[%swap3A, %swap3A_3] : memref<2048x128xf32, #tpu.memory_space<vmem>>, vector<2048x128xf32>
    tpu.vector_store %arg2[%swap3A, %swap3A_3], %concatenate3A {strides = array<i32>} : memref<2048x128xf32, #tpu.memory_space<vmem>>, vector<2048x128xf32>,
    return
  }
  func.func @transform_0(%arg0: i32) -> (i32, i32) {
    %c0_i32 = arith.constant 0 : i32
    %c0_i32_0 = arith.constant 0 : i32
    return %c0_i32, %arg0 : i32, i32
  }
  func.func @transform_1(%arg0: i32) -> (i32, i32) {
    %c0_i32 = arith.constant 0 : i32
    %c0_i32_0 = arith.constant 0 : i32
    return %arg0, %c0_i32 : i32, i32
  }
}

module attributes {stable_mosaic.version = 14 : i64} {
  func.func @body(%arg0: i32, %arg1: memref<32x100xf32, #tpu.memory_space<vmem>>, %arg2: memref<100x128xf32, #tpu.memory_space<vmem>>) attributes {dimension_semantics = [#tpu.dimension_semantics<arbitrary>], iteration_bounds = array<i64: 1>, scalar_prefetch = 0 : i64, scratch_operands = 0 : i64, tpu.core_type = #tpu.core_type<tc>, window_params = [{transform_indices = @transform_0, window_bounds = array<i64: 32, 100>}, {transform_indices = @transform_1, window_bounds = array<i64: 100, 128>}]} {
    %get3A = arith.constant 0 : index
    %get3A_0 = arith.constant 0 : index
    %get3A_1 = vector.load %arg1[%get3A, %get3A_0] : memref<32x100xf32, #tpu.memory_space<vmem>>, vector<32x100xf32>
    %transpose3A = tpu.transpose %get3A_1, [1, 0] : vector<32x100xf32> -> vector<100x32xf32>
    %broadcast_in_dim3A = arith.constant 0.000000e+00 : f32
    %broadcast_in_dim3A_2 = vector.broadcast %broadcast_in_dim3A : f32 to vector<100x32xf32>
    %concatenate3A = tpu.concatenate %broadcast_in_dim3A_2, %broadcast_in_dim3A_2, %broadcast_in_dim3A_2, %transpose3A in 1 : vector<100x32xf32>, vector<100x32xf32>, vector<100x32xf32>, vector<100x32xf32> -> vector<100x128xf32>
    %swap3A = arith.constant 0 : index
    %swap3A_3 = arith.constant 0 : index
    %swap3A_4 = vector.load %arg2[%swap3A, %swap3A_3] : memref<100x128xf32, #tpu.memory_space<vmem>>, vector<100x128xf32>
    tpu.vector_store %arg2[%swap3A, %swap3A_3], %concatenate3A {strides = array<i32>} : memref<100x128xf32, #tpu.memory_space<vmem>>, vector<100x128xf32>,
    return
  }
  func.func @transform_0(%arg0: i32) -> (i32, i32) {
    %c0_i32 = arith.constant 0 : i32
    %c0_i32_0 = arith.constant 0 : i32
    return %c0_i32, %arg0 : i32, i32
  }
  func.func @transform_1(%arg0: i32) -> (i32, i32) {
    %c0_i32 = arith.constant 0 : i32
    %c0_i32_0 = arith.constant 0 : i32
    return %arg0, %c0_i32 : i32, i32
  }
}

module attributes {stable_mosaic.version = 14 : i64} {
  func.func @body(%arg0: i32, %arg1: memref<4096x128xf32, #tpu.memory_space<vmem>>, %arg2: memref<1x1x4096xi32, #tpu.memory_space<vmem>>, %arg3: memref<1x1x4096xi32, #tpu.memory_space<vmem>>, %arg4: memref<200x128xbf16, #tpu.memory_space<vmem>>, %arg5: memref<8x200xf32, #tpu.memory_space<vmem>>, %arg6: memref<128x256xbf16, #tpu.memory_space<vmem>>, %arg7: memref<1x256xf32, #tpu.memory_space<vmem>>, %arg8: memref<256x128xbf16, #tpu.memory_space<vmem>>, %arg9: memref<1x128xf32, #tpu.memory_space<vmem>>, %arg10: memref<1x4096x128xf32, #tpu.memory_space<vmem>>, %arg11: memref<1x8x4096xf32, #tpu.memory_space<vmem>>) attributes {dimension_semantics = [#tpu.dimension_semantics<arbitrary>], iteration_bounds = array<i64: 50>, scalar_prefetch = 0 : i64, scratch_operands = 0 : i64, tpu.core_type = #tpu.core_type<tc>, window_params = [{transform_indices = @transform_0, window_bounds = array<i64: 4096, 128>}, {transform_indices = @transform_1, window_bounds = array<i64: 1, 1, 4096>}, {transform_indices = @transform_2, window_bounds = array<i64: 1, 1, 4096>}, {pipeline_mode = #tpu.pipeline_mode<synchronous>, transform_indices = @transform_3, window_bounds = array<i64: 200, 128>}, {pipeline_mode = #tpu.pipeline_mode<synchronous>, transform_indices = @transform_4, window_bounds = array<i64: 8, 200>}, {pipeline_mode = #tpu.pipeline_mode<synchronous>, transform_indices = @transform_5, window_bounds = array<i64: 128, 256>}, {pipeline_mode = #tpu.pipeline_mode<synchronous>, transform_indices = @transform_6, window_bounds = array<i64: 1, 256>}, {pipeline_mode = #tpu.pipeline_mode<synchronous>, transform_indices = @transform_7, window_bounds = array<i64: 256, 128>}, {pipeline_mode = #tpu.pipeline_mode<synchronous>, transform_indices = @transform_8, window_bounds = array<i64: 1, 128>}, {transform_indices = @transform_9, window_bounds = array<i64: 1, 4096, 128>}, {transform_indices = @transform_10, window_bounds = array<i64: 1, 8, 4096>}]} {
    %get3A = arith.constant 0 : index
    %get3A_0 = arith.constant 0 : index
    %get3A_1 = arith.constant 0 : index
    %get3A_2 = vector.load %arg2[%get3A, %get3A_0, %get3A_1] : memref<1x1x4096xi32, #tpu.memory_space<vmem>>, vector<1x1x4096xi32>
    %get3A_3 = vector.shape_cast %get3A_2 : vector<1x1x4096xi32> to vector<1x4096xi32>
    %get3A_4 = arith.constant 0 : index
    %get3A_5 = arith.constant 0 : index
    %get3A_6 = arith.constant 0 : index
    %get3A_7 = vector.load %arg3[%get3A_4, %get3A_5, %get3A_6] : memref<1x1x4096xi32, #tpu.memory_space<vmem>>, vector<1x1x4096xi32>
    %get3A_8 = vector.shape_cast %get3A_7 : vector<1x1x4096xi32> to vector<1x4096xi32>
    %iota3A = tpu.iota {dimensions = array<i32: 0>} : vector<200x4096xi32>
    %eq3A = vector.broadcast %get3A_3 : vector<1x4096xi32> to vector<200x4096xi32>
    %eq3A_9 = arith.cmpi eq, %iota3A, %eq3A : vector<200x4096xi32>
    %convert_element_type3A = arith.extui %eq3A_9 : vector<200x4096xi1> to vector<200x4096xi32>
    %convert_element_type3A_10 = arith.sitofp %convert_element_type3A : vector<200x4096xi32> to vector<200x4096xf32>
    %convert_element_type3A_11 = arith.truncf %convert_element_type3A_10 : vector<200x4096xf32> to vector<200x4096xbf16>
    %eq3A_12 = vector.broadcast %get3A_8 : vector<1x4096xi32> to vector<200x4096xi32>
    %eq3A_13 = arith.cmpi eq, %iota3A, %eq3A_12 : vector<200x4096xi32>
    %convert_element_type3A_14 = arith.extui %eq3A_13 : vector<200x4096xi1> to vector<200x4096xi32>
    %convert_element_type3A_15 = arith.sitofp %convert_element_type3A_14 : vector<200x4096xi32> to vector<200x4096xf32>
    %get3A_16 = arith.constant 0 : index
    %get3A_17 = arith.constant 0 : index
    %get3A_18 = vector.load %arg4[%get3A_16, %get3A_17] : memref<200x128xbf16, #tpu.memory_space<vmem>>, vector<200x128xbf16>
    %dot_general3A = arith.constant dense<0.000000e+00> : vector<4096x128xf32>
    %dot_general3A_19 = tpu.matmul %convert_element_type3A_11, %get3A_18, %dot_general3A {dimension_numbers = #tpu.dot_dimension_numbers<[0], [0], [1], [1], [0, 1, 1, 1], [], []>, transpose_lhs_hint = false} : vector<200x4096xbf16>, vector<200x128xbf16>, vector<4096x128xf32> -> vector<4096x128xf32>
    %get3A_20 = arith.constant 0 : index
    %get3A_21 = arith.constant 0 : index
    %get3A_22 = vector.load %arg1[%get3A_20, %get3A_21] : memref<4096x128xf32, #tpu.memory_space<vmem>>, vector<4096x128xf32>
    %add3A = arith.addf %get3A_22, %dot_general3A_19 : vector<4096x128xf32>
    %convert_element_type3A_23 = arith.truncf %add3A : vector<4096x128xf32> to vector<4096x128xbf16>
    %get3A_24 = arith.constant 0 : index
    %get3A_25 = arith.constant 0 : index
    %get3A_26 = vector.load %arg5[%get3A_24, %get3A_25] : memref<8x200xf32, #tpu.memory_space<vmem>>, vector<8x200xf32>
    %dot_general3A_27 = arith.constant dense<0.000000e+00> : vector<8x4096xf32>
    %dot_general3A_28 = tpu.matmul %get3A_26, %convert_element_type3A_15, %dot_general3A_27 {dimension_numbers = #tpu.dot_dimension_numbers<[1], [0], [0], [1], [0, 0, 1, 1], [], []>, transpose_lhs_hint = false} : vector<8x200xf32>, vector<200x4096xf32>, vector<8x4096xf32> -> vector<8x4096xf32>
    %reshape3A = vector.shape_cast %dot_general3A_28 : vector<8x4096xf32> to vector<1x8x4096xf32>
    %swap3A = arith.constant 0 : index
    %swap3A_29 = arith.constant 0 : index
    %swap3A_30 = arith.constant 0 : index
    %swap3A_31 = vector.load %arg11[%swap3A, %swap3A_29, %swap3A_30] : memref<1x8x4096xf32, #tpu.memory_space<vmem>>, vector<1x8x4096xf32>
    tpu.vector_store %arg11[%swap3A, %swap3A_29, %swap3A_30], %reshape3A {strides = array<i32>} : memref<1x8x4096xf32, #tpu.memory_space<vmem>>, vector<1x8x4096xf32>,
    %get3A_32 = arith.constant 0 : index
    %get3A_33 = arith.constant 0 : index
    %get3A_34 = vector.load %arg6[%get3A_32, %get3A_33] : memref<128x256xbf16, #tpu.memory_space<vmem>>, vector<128x256xbf16>
    %dot_general3A_35 = arith.constant dense<0.000000e+00> : vector<4096x256xf32>
    %dot_general3A_36 = tpu.matmul %convert_element_type3A_23, %get3A_34, %dot_general3A_35 {dimension_numbers = #tpu.dot_dimension_numbers<[1], [0], [0], [1], [0, 0, 1, 1], [], []>, transpose_lhs_hint = false} : vector<4096x128xbf16>, vector<128x256xbf16>, vector<4096x256xf32> -> vector<4096x256xf32>
    %get3A_37 = arith.constant 0 : index
    %get3A_38 = arith.constant 0 : index
    %get3A_39 = vector.load %arg7[%get3A_37, %get3A_38] : memref<1x256xf32, #tpu.memory_space<vmem>>, vector<1x256xf32>
    %add3A_40 = vector.broadcast %get3A_39 : vector<1x256xf32> to vector<4096x256xf32>
    %add3A_41 = arith.addf %dot_general3A_36, %add3A_40 : vector<4096x256xf32>
    %max3A = arith.constant 0.000000e+00 : f32
    %max3A_42 = vector.broadcast %max3A : f32 to vector<4096x256xf32>
    %max3A_43 = arith.maximumf %add3A_41, %max3A_42 : vector<4096x256xf32>
    %convert_element_type3A_44 = arith.truncf %max3A_43 : vector<4096x256xf32> to vector<4096x256xbf16>
    %get3A_45 = arith.constant 0 : index
    %get3A_46 = arith.constant 0 : index
    %get3A_47 = vector.load %arg8[%get3A_45, %get3A_46] : memref<256x128xbf16, #tpu.memory_space<vmem>>, vector<256x128xbf16>
    %dot_general3A_48 = arith.constant dense<0.000000e+00> : vector<4096x128xf32>
    %dot_general3A_49 = tpu.matmul %convert_element_type3A_44, %get3A_47, %dot_general3A_48 {dimension_numbers = #tpu.dot_dimension_numbers<[1], [0], [0], [1], [0, 0, 1, 1], [], []>, transpose_lhs_hint = false} : vector<4096x256xbf16>, vector<256x128xbf16>, vector<4096x128xf32> -> vector<4096x128xf32>
    %get3A_50 = arith.constant 0 : index
    %get3A_51 = arith.constant 0 : index
    %get3A_52 = vector.load %arg9[%get3A_50, %get3A_51] : memref<1x128xf32, #tpu.memory_space<vmem>>, vector<1x128xf32>
    %add3A_53 = vector.broadcast %get3A_52 : vector<1x128xf32> to vector<4096x128xf32>
    %add3A_54 = arith.addf %dot_general3A_49, %add3A_53 : vector<4096x128xf32>
    %max3A_55 = arith.constant 0.000000e+00 : f32
    %max3A_56 = vector.broadcast %max3A_55 : f32 to vector<4096x128xf32>
    %max3A_57 = arith.maximumf %add3A_54, %max3A_56 : vector<4096x128xf32>
    %reshape3A_58 = vector.shape_cast %max3A_57 : vector<4096x128xf32> to vector<1x4096x128xf32>
    %swap3A_59 = arith.constant 0 : index
    %swap3A_60 = arith.constant 0 : index
    %swap3A_61 = arith.constant 0 : index
    %swap3A_62 = vector.load %arg10[%swap3A_59, %swap3A_60, %swap3A_61] : memref<1x4096x128xf32, #tpu.memory_space<vmem>>, vector<1x4096x128xf32>
    tpu.vector_store %arg10[%swap3A_59, %swap3A_60, %swap3A_61], %reshape3A_58 {strides = array<i32>} : memref<1x4096x128xf32, #tpu.memory_space<vmem>>, vector<1x4096x128xf32>,
    return
  }
  func.func @transform_0(%arg0: i32) -> (i32, i32) {
    %c0_i32 = arith.constant 0 : i32
    %c0_i32_0 = arith.constant 0 : i32
    return %arg0, %c0_i32 : i32, i32
  }
  func.func @transform_1(%arg0: i32) -> (i32, i32, i32) {
    %c0_i32 = arith.constant 0 : i32
    %c0_i32_0 = arith.constant 0 : i32
    %c0_i32_1 = arith.constant 0 : i32
    return %arg0, %c0_i32, %c0_i32_0 : i32, i32, i32
  }
  func.func @transform_2(%arg0: i32) -> (i32, i32, i32) {
    %c0_i32 = arith.constant 0 : i32
    %c0_i32_0 = arith.constant 0 : i32
    %c0_i32_1 = arith.constant 0 : i32
    return %arg0, %c0_i32, %c0_i32_0 : i32, i32, i32
  }
  func.func @transform_3(%arg0: i32) -> (i32, i32) {
    %c0_i32 = arith.constant 0 : i32
    %c0_i32_0 = arith.constant 0 : i32
    %c0_i32_1 = arith.constant 0 : i32
    return %c0_i32, %c0_i32_0 : i32, i32
  }
  func.func @transform_4(%arg0: i32) -> (i32, i32) {
    %c0_i32 = arith.constant 0 : i32
    %c0_i32_0 = arith.constant 0 : i32
    %c0_i32_1 = arith.constant 0 : i32
    return %c0_i32, %c0_i32_0 : i32, i32
  }
  func.func @transform_5(%arg0: i32) -> (i32, i32) {
    %c0_i32 = arith.constant 0 : i32
    %c0_i32_0 = arith.constant 0 : i32
    %c0_i32_1 = arith.constant 0 : i32
    return %c0_i32, %c0_i32_0 : i32, i32
  }
  func.func @transform_6(%arg0: i32) -> (i32, i32) {
    %c0_i32 = arith.constant 0 : i32
    %c0_i32_0 = arith.constant 0 : i32
    %c0_i32_1 = arith.constant 0 : i32
    return %c0_i32, %c0_i32_0 : i32, i32
  }
  func.func @transform_7(%arg0: i32) -> (i32, i32) {
    %c0_i32 = arith.constant 0 : i32
    %c0_i32_0 = arith.constant 0 : i32
    %c0_i32_1 = arith.constant 0 : i32
    return %c0_i32, %c0_i32_0 : i32, i32
  }
  func.func @transform_8(%arg0: i32) -> (i32, i32) {
    %c0_i32 = arith.constant 0 : i32
    %c0_i32_0 = arith.constant 0 : i32
    %c0_i32_1 = arith.constant 0 : i32
    return %c0_i32, %c0_i32_0 : i32, i32
  }
  func.func @transform_9(%arg0: i32) -> (i32, i32, i32) {
    %jit3A = arith.constant 1 : i32
    %div3A = arith.divsi %arg0, %jit3A : i32
    %sign3A = arith.constant 0 : i32
    %sign3A_0 = arith.cmpi sgt, %arg0, %sign3A : i32
    %sign3A_1 = arith.extui %sign3A_0 : i1 to i32
    %sign3A_2 = arith.constant 0 : i32
    %sign3A_3 = arith.cmpi slt, %arg0, %sign3A_2 : i32
    %sign3A_4 = arith.extui %sign3A_3 : i1 to i32
    %sign3A_5 = arith.subi %sign3A_1, %sign3A_4 : i32
    %sign3A_6 = arith.constant 0 : i32
    %sign3A_7 = arith.cmpi sgt, %jit3A, %sign3A_6 : i32
    %sign3A_8 = arith.extui %sign3A_7 : i1 to i32
    %sign3A_9 = arith.constant 0 : i32
    %sign3A_10 = arith.cmpi slt, %jit3A, %sign3A_9 : i32
    %sign3A_11 = arith.extui %sign3A_10 : i1 to i32
    %sign3A_12 = arith.subi %sign3A_8, %sign3A_11 : i32
    %ne3A = arith.cmpi ne, %sign3A_5, %sign3A_12 : i32
    %rem3A = arith.remsi %arg0, %jit3A : i32
    %ne3A_13 = arith.constant 0 : i32
    %ne3A_14 = arith.cmpi ne, %rem3A, %ne3A_13 : i32
    %and3A = arith.andi %ne3A, %ne3A_14 : i1
    %sub3A = arith.constant 1 : i32
    %sub3A_15 = arith.subi %div3A, %sub3A : i32
    %select_n3A = arith.select %and3A, %sub3A_15, %div3A : i32
    %jit3A_16 = arith.constant 1 : i32
    %eq3A = arith.constant 0 : i32
    %eq3A_17 = arith.cmpi eq, %jit3A_16, %eq3A : i32
    %jit3A_18 = arith.constant 1 : i32
    %select_n3A_19 = arith.select %eq3A_17, %jit3A_18, %jit3A_16 : i32
    %rem3A_20 = arith.remsi %arg0, %select_n3A_19 : i32
    %ne3A_21 = arith.constant 0 : i32
    %ne3A_22 = arith.cmpi ne, %rem3A_20, %ne3A_21 : i32
    %lt3A = arith.constant 0 : i32
    %lt3A_23 = arith.cmpi slt, %rem3A_20, %lt3A : i32
    %lt3A_24 = arith.constant 0 : i32
    %lt3A_25 = arith.cmpi slt, %select_n3A_19, %lt3A_24 : i32
    %ne3A_26 = arith.xori %lt3A_23, %lt3A_25 : i1
    %and3A_27 = arith.andi %ne3A_26, %ne3A_22 : i1
    %add3A = arith.addi %rem3A_20, %select_n3A_19 : i32
    %select_n3A_28 = arith.select %and3A_27, %add3A, %rem3A_20 : i32
    %c0_i32 = arith.constant 0 : i32
    %c0_i32_29 = arith.constant 0 : i32
    return %select_n3A, %select_n3A_28, %c0_i32 : i32, i32, i32
  }
  func.func @transform_10(%arg0: i32) -> (i32, i32, i32) {
    %jit3A = arith.constant 1 : i32
    %div3A = arith.divsi %arg0, %jit3A : i32
    %sign3A = arith.constant 0 : i32
    %sign3A_0 = arith.cmpi sgt, %arg0, %sign3A : i32
    %sign3A_1 = arith.extui %sign3A_0 : i1 to i32
    %sign3A_2 = arith.constant 0 : i32
    %sign3A_3 = arith.cmpi slt, %arg0, %sign3A_2 : i32
    %sign3A_4 = arith.extui %sign3A_3 : i1 to i32
    %sign3A_5 = arith.subi %sign3A_1, %sign3A_4 : i32
    %sign3A_6 = arith.constant 0 : i32
    %sign3A_7 = arith.cmpi sgt, %jit3A, %sign3A_6 : i32
    %sign3A_8 = arith.extui %sign3A_7 : i1 to i32
    %sign3A_9 = arith.constant 0 : i32
    %sign3A_10 = arith.cmpi slt, %jit3A, %sign3A_9 : i32
    %sign3A_11 = arith.extui %sign3A_10 : i1 to i32
    %sign3A_12 = arith.subi %sign3A_8, %sign3A_11 : i32
    %ne3A = arith.cmpi ne, %sign3A_5, %sign3A_12 : i32
    %rem3A = arith.remsi %arg0, %jit3A : i32
    %ne3A_13 = arith.constant 0 : i32
    %ne3A_14 = arith.cmpi ne, %rem3A, %ne3A_13 : i32
    %and3A = arith.andi %ne3A, %ne3A_14 : i1
    %sub3A = arith.constant 1 : i32
    %sub3A_15 = arith.subi %div3A, %sub3A : i32
    %select_n3A = arith.select %and3A, %sub3A_15, %div3A : i32
    %jit3A_16 = arith.constant 1 : i32
    %eq3A = arith.constant 0 : i32
    %eq3A_17 = arith.cmpi eq, %jit3A_16, %eq3A : i32
    %jit3A_18 = arith.constant 1 : i32
    %select_n3A_19 = arith.select %eq3A_17, %jit3A_18, %jit3A_16 : i32
    %rem3A_20 = arith.remsi %arg0, %select_n3A_19 : i32
    %ne3A_21 = arith.constant 0 : i32
    %ne3A_22 = arith.cmpi ne, %rem3A_20, %ne3A_21 : i32
    %lt3A = arith.constant 0 : i32
    %lt3A_23 = arith.cmpi slt, %rem3A_20, %lt3A : i32
    %lt3A_24 = arith.constant 0 : i32
    %lt3A_25 = arith.cmpi slt, %select_n3A_19, %lt3A_24 : i32
    %ne3A_26 = arith.xori %lt3A_23, %lt3A_25 : i1
    %and3A_27 = arith.andi %ne3A_26, %ne3A_22 : i1
    %add3A = arith.addi %rem3A_20, %select_n3A_19 : i32
    %select_n3A_28 = arith.select %and3A_27, %add3A, %rem3A_20 : i32
    %c0_i32 = arith.constant 0 : i32
    %c0_i32_29 = arith.constant 0 : i32
    return %select_n3A, %c0_i32, %select_n3A_28 : i32, i32, i32
  }
}

</mosaic_0001>

<sc_bundles>
// kernel: kernel.8.cloned.1.call-start
scs
__scs_entry_jumppad:
0x0: {  	(pc) =	sbr.rel $0x88, $3  }
0x1: {  	(tag) =	ssettag $0x0;
	lr =	simm.s32 $0x1  }
0x2: {  	[smem:$0x3F89] =	sst lr;
	_ =	strace $0xD0000000  }
0x3: {  	_ = 	snop  }
0x4: {  	_ = 	snop  }
0x5: {  	_ = 	snop  }
0x6: {  	_ = 	snop  }
0x7: {  	_ = 	snop  }
__scs_overlays_trampoline_lowered:
0x8: {  	[smem:$0x3F98] =	sst s0  }
0x9: {  	[smem:$0x3F99] =	sst s1  }
0xa: {  	[smem:$0x3F9A] =	sst s2  }
0xb: {  	[smem:$0x3F9B] =	sst s3  }
0xc: {  	[smem:$0x3F9C] =	sst s4  }
0xd: {  	[smem:$0x3F9D] =	sst s5  }
0xe: {  	[smem:$0x3F9E] =	sst s6  }
0xf: {  	[smem:$0x3F9F] =	sst s7  }
0x10: {  	[smem:$0x3FA0] =	sst s8  }
0x11: {  	[smem:$0x3FA1] =	sst s9;
	s0 =	simm.s32 @!p0 $0x0  }
0x12: {  	s1 =	sld [smem:$0x3F87];
	s0 =	simm.s32 @p0 $0x1  }
0x13: {  	[smem:$0x3FA2] =	sst s0;
	s0 =	simm.s32 @!p1 $0x0  }
0x14: {  	s2 =	sld [smem:$0x3F86];
	s0 =	simm.s32 @p1 $0x1  }
0x15: {  	[smem:$0x3FA3] =	sst s0;
	s0 =	simm.s32 @!p2 $0x0  }
0x16: {  	s3 =	sld [smem:$0x3FDB];
	s0 =	simm.s32 @p2 $0x1  }
0x17: {  	s4 =	simm.s32 $0x1BF5;
	[smem:$0x3FA5] =	sst s0  }
0x18: {  	s0 =	sld [smem:$0x3F88];
	_ =	swait.ge [sflag:s4], $0x0  }
0x19: {  	s7 =	sld [smem:$0x3F89]  }
0x1a: {  	s8 =	sadd.s32 $0xFFFFE003, lr  }
0x1b: {  	s9 =	sadd.s32 $0xFFFFFEF7, lr;
	s5 =	simm.s32 $0xFFFFFFFF;
	p2 =	slt.u32 s8, $0xFFFFF086  }
0x1c: {  	p1 =	slt.u32 s9, $0xF7A;
	s5 =	simm.s32 @!p2 $0x0  }
0x1d: {  	s5 =	simm.s32 @p1 $0x1;
	p0 =	seq.s32 s7, s2  }
0x1e: {  	s7 =	smul.u32 @!p0 $0xF7A, s2;
	p2 =	seq.s32 @!p0 s5, $0x0  }
0x1f: {  	s9 =	smul.u32 $0xF7A, s1;
	s8 =	simm.s32 @!p0 $0x1BF5;
	p2 =	por !p2, p0  }
0x20: {  	[sflag:s8] =	ssyncset.s32 @!p0 $0xFFFFF086;
	s6 =	sadd.s32 @!p0 s3, s7;
	s7 =	simm.s32 @!p0 $0x108  }
0x21: {  	s3 =	sadd.s32 s3, s9;
	s6 =	sadd.s32 @!p0 $0x88, s6;
	s7 =	simm.s32 @p2 $0x1082  }
0x22: {  	[simem:s7], [sflag:s8] =	dma.local @!p0 [hbm:s6], $0xF7A  }
0x23: {  	s9 =	sor.u32 $0xD0000000, s2;
	s6 =	simm.s32 $0x108;
	_ =	swait.ge @!p0 [sflag:s8], $0x0  }
0x24: {  	s3 =	sadd.s32 $0x88, s3;
	s6 =	simm.s32 @!p1 $0x1082;
	[sflag:s4] =	ssyncset.s32 $0xFFFFF086  }
0x25: {  	[simem:s6], [sflag:s4] =	dma.local [hbm:s3], $0xF7A  }
0x26: {  	[smem:$0x3F89] =	sst s1;
	(tag) =	ssettag s2;
	_ =	strace s9  }
0x27: {  	s1 =	sld [smem:$0x3F99]  }
0x28: {  	s2 =	sld [smem:$0x3F9A]  }
0x29: {  	s4 =	sld [smem:$0x3F9C]  }
0x2a: {  	p0 =	seq.s32 s5, $0x0;
	s5 =	sld [smem:$0x3F9D]  }
0x2b: {  	s6 =	sld [smem:$0x3F9E]  }
0x2c: {  	s7 =	sld [smem:$0x3F9F]  }
0x2d: {  	s3 =	simm.s32 $0x108;
	s8 =	sld [smem:$0x3FA0]  }
0x2e: {  	s3 =	simm.s32 @!p0 $0x1082;
	s9 =	sld [smem:$0x3FA1]  }
0x2f: {  	lr =	sadd.s32 s0, s3;
	s0 =	sld [smem:$0x3F98]  }
0x30: {  	s3 =	sld [smem:$0x3F9B]  }
0x31: {  	[smem:$0x3FA4] =	sst s10  }
0x32: {  	s10 =	sld [smem:$0x3FA2];
	_ =	sdelay $0x3  }
0x33: {  	p0 =	seq.s32 s10, $0x1;
	s10 =	sld [smem:$0x3FA4];
	_ =	sdelay $0x3  }
0x34: {  	[smem:$0x3FA4] =	sst s10  }
0x35: {  	s10 =	sld [smem:$0x3FA3];
	_ =	sdelay $0x3  }
0x36: {  	p1 =	seq.s32 s10, $0x1;
	s10 =	sld [smem:$0x3FA4];
	_ =	sdelay $0x3  }
0x37: {  	[smem:$0x3FA4] =	sst s10  }
0x38: {  	s10 =	sld [smem:$0x3FA5]  }
0x39: {  	_ = 	snop;
	(pc) =	sbr.ind lr, $3  }
0x3a: {  	_ = 	snop  }
0x3b: {  	_ = 	snop  }
0x3c: {  	p2 =	seq.s32 s10, $0x1;
	s10 =	sld [smem:$0x3FA4]  }
0x3d: {  	_ =	shalt  }
0x3e: {  	_ =	shalt  }
0x3f: {  	_ =	shalt  }
0x40: {  	_ =	shalt  }
0x41: {  	_ =	shalt  }
0x42: {  	_ =	shalt  }
0x43: {  	_ =	shalt  }
0x44: {  	_ =	shalt  }
0x45: {  	_ =	shalt  }
0x46: {  	_ =	shalt  }
0x47: {  	_ =	shalt  }
0x48: {  	_ =	shalt  }
0x49: {  	_ =	shalt  }
0x4a: {  	_ =	shalt  }
0x4b: {  	_ =	shalt  }
0x4c: {  	_ =	shalt  }
0x4d: {  	_ =	shalt  }
0x4e: {  	_ =	shalt  }
0x4f: {  	_ =	shalt  }
0x50: {  	_ =	shalt  }
0x51: {  	_ =	shalt  }
0x52: {  	_ =	shalt  }
0x53: {  	_ =	shalt  }
0x54: {  	_ =	shalt  }
0x55: {  	_ =	shalt  }
0x56: {  	_ =	shalt  }
0x57: {  	_ =	shalt  }
0x58: {  	_ =	shalt  }
0x59: {  	_ =	shalt  }
0x5a: {  	_ =	shalt  }
0x5b: {  	_ =	shalt  }
0x5c: {  	_ =	shalt  }
0x5d: {  	_ =	shalt  }
0x5e: {  	_ =	shalt  }
0x5f: {  	_ =	shalt  }
0x60: {  	_ =	shalt  }
0x61: {  	_ =	shalt  }
0x62: {  	_ =	shalt  }
0x63: {  	_ =	shalt  }
0x64: {  	_ =	shalt  }
0x65: {  	_ =	shalt  }
0x66: {  	_ =	shalt  }
0x67: {  	_ =	shalt  }
0x68: {  	_ =	shalt  }
0x69: {  	_ =	shalt  }
0x6a: {  	_ =	shalt  }
0x6b: {  	_ =	shalt  }
0x6c: {  	_ =	shalt  }
0x6d: {  	_ =	shalt  }
0x6e: {  	_ =	shalt  }
0x6f: {  	_ =	shalt  }
0x70: {  	_ =	shalt  }
0x71: {  	_ =	shalt  }
0x72: {  	_ =	shalt  }
0x73: {  	_ =	shalt  }
0x74: {  	_ =	shalt  }
0x75: {  	_ =	shalt  }
0x76: {  	_ =	shalt  }
0x77: {  	_ =	shalt  }
0x78: {  	_ =	shalt  }
0x79: {  	_ =	shalt  }
0x7a: {  	_ =	shalt  }
0x7b: {  	_ =	shalt  }
0x7c: {  	_ =	shalt  }
0x7d: {  	_ =	shalt  }
0x7e: {  	_ =	shalt  }
0x7f: {  	_ =	shalt  }
0x80: {  	_ =	shalt  }
0x81: {  	_ =	shalt  }
0x82: {  	_ =	shalt  }
0x83: {  	_ =	shalt  }
0x84: {  	_ =	shalt  }
0x85: {  	_ =	shalt  }
0x86: {  	_ =	shalt  }
0x87: {  	_ =	shalt  }
.Lfunc_end0:
.L_simem_size_0:
called_computation_lowered:
.L_overlay_start_0:
0x88: {  	s2 =	sld [smem:$0x3FD9]  }
0x89: {  	s3 =	sld [smem:$0x3FFE];
	_ =	sdelay $0x1  }
0x8a: {  	s1 =	srdreg.scid  }
0x8b: {  	s0 =	sand.u32 $0x1, s1  }
0x8c: {  	s14 =	sshll.u32 s0, $0xA;
	s2 =	sadd.s32 s3, s2  }
0x8d: {  	s2 =	sadd.s32 s2, s14  }
0x8e: {  	[smem:$0x3FB0] =	sst s2  }
0x8f: {  	_ = 	snop  }
0x90: {  	s2 =	sld [smem:$0x3FD0];
	_ =	sdelay $0x2  }
0x91: {  	s15 =	simm.s32 $0xA;
	s4 =	simm.s32 $0x10  }
0x92: {  	[smem:s4], [sflag:s15] =	dma.local [hbm:s2], $0x1  }
0x93: {  	_ =	swait.eq [sflag:s15], $0x1  }
0x94: {  	[sflag:s15] =	ssyncset.done $0x0  }
0x95: {  	s16 =	sld [smem:$0x10];
	[sflag:s15] =	ssyncadd.s32 $0xFFFFFFFF  }
0x96: {  	s17 =	sld [smem:$0x12];
	(tm) =	ssettm $0x1  }
0x97: {  	s18 =	sld [smem:$0x3FFB];
	_ =	sdelay $0x3  }
0x98: {  	_ =	strace s18  }
0x99: {  	s4 =	sld [smem:$0x3FFC];
	_ =	sdelay $0x3  }
0x9a: {  	_ =	strace s4  }
0x9b: {  	s4 =	sld [smem:$0x3FFD];
	_ =	sdelay $0x3  }
0x9c: {  	_ =	strace s4  }
0x9d: {  	_ =	strace $0x8FFFFFFF  }
0x9e: {  	s19 =	sld [smem:$0x3FDB];
	_ =	sdelay $0x1  }
0x9f: {  	s5 =	simm.s32 $_scs_section_size  }
0xa0: {  	s6 =	simm.s32 $_size__tile_overlayer_lowered;
	s7 =	simm.s32 $_tile_overlayer_lowered  }
0xa1: {  	s22 =	simm.s32 $0x1BFF;
	s21 =	sshll.u32 s7, $0x1;
	s4 =	sadd.s32 s5, s19  }
0xa2: {  	s8 =	simm.s32 $0x0;
	s20 =	sshll.u32 s6, $0x1;
	s6 =	sadd.s32 s21, s4  }
0xa3: {  	[timem:s8], [sflag:s22] =	dma.local [hbm:s6], s20  }
0xa4: {  	_ =	swait.ge [sflag:s22], s20  }
0xa5: {  	s5 =	ssub.s32 $0x0, s20;
	[sflag:s22] =	ssyncset.done $0x0  }
0xa6: {  	[sflag:s22] =	ssyncadd.s32 s5;
	_ =	sdelay $0x1  }
0xa7: {  	s23 =	simm.s32 $0x1B8B  }
0xa8: {  	_ =	swait.ge [sflag:s23], $0x1  }
0xa9: {  	[sflag:s23] =	ssyncset.done $0x0  }
0xaa: {  	s25 =	simm.s32 $0x1B8E;
	s24 =	sld [smem:$0x3FFE];
	[sflag:s23] =	ssyncadd.s32 $0xFFFFFFFF  }
0xab: {  	s26 =	simm.s32 $execute0_lowered;
	[smem:$0x3FD2] =	sst s25  }
0xac: {  	s6 =	sshll.u32 s26, $0x1;
	_ =	strace $0x80000046;
	[dreg:$0x1] =	wrdreg $0xFFFFFFFF  }
0xad: {  	s28 =	simm.s32 $_size_execute0_lowered;
	s4 =	sadd.s32 s4, s6;
	[dreg:$0x0] =	wrdreg $0x0  }
0xae: {  	s6 =	sshll.u32 s28, $0x1;
	[dreg:$0x2] =	wrdreg s4  }
0xaf: {  	[dreg:$0x3] =	wrdreg s6  }
0xb0: {  	[dreg:$0x4] =	wrdreg $0xC0  }
0xb1: {  	_ =	task [dreg:s8], $0x5FFFF  }
0xb2: {  	[dreg:$0x1] =	wrdreg $0xFFFFFFFF  }
0xb3: {  	[dreg:$0x0] =	wrdreg $0x60  }
0xb4: {  	[dreg:$0x2] =	wrdreg s17  }
0xb5: {  	[dreg:$0x3] =	wrdreg s24  }
0xb6: {  	[dreg:$0x4] =	wrdreg s16  }
0xb7: {  	[dreg:$0x5] =	wrdreg $0x9  }
0xb8: {  	_ =	task.clear_ibuf [dreg:s8], $0x6FFFF;
	_ =	strace $0x90000046  }
0xb9: {  	s29 =	simm.s32 $0x9;
	_ =	strace $0x80000048  }
0xba: {  	_ =	swait.ge [sflag:s29], $0x1  }
0xbb: {  	[sflag:s29] =	ssyncadd.s32 $0xFFFFFFFF  }
0xbc: {  	_ =	strace $0x90000048  }
0xbd: {  	_ =	sfence  }
0xbe: {  	s30 =	sld [smem:$0x0];
	_ =	sdelay $0x2  }
0xbf: {  	s31 =	sshll.u32 s1, $0xD;
	s1 =	sshrl.u32 s1, $0x2  }
0xc0: {  	s3 =	sand.u32 $0x4000, s31;
	s1 =	sadd.s32 s1, s30  }
0xc1: {  	s0 =	sor.u32 s3, s0;
	s1 =	sshll.u32 s1, $0x11  }
0xc2: {  	s0 =	sor.u32 s1, s0  }
0xc3: {  	s0 =	sadd.s32 $0x8F2B, s0  }
0xc4: {  	[sflag:s0] =	ssyncadd.remote.s32 $0x1  }
0xc5: {  	_ =	sfence.sel $0xFFFF  }
0xc6: {  	[dreg:$0x0] =	wrdreg $0xFFFFFFFF;
	(pc) =	sbr.abs _section_cstart, $3  }
0xc7: {  	[dreg:$0x1] =	wrdreg $0xFFFFFFFF  }
0xc8: {  	_ =	task.clear_ibuf [dreg:s8], $0x2FFFF;
	_ =	strace $0x9FFFFFFF  }
0xc9: {  	(tm) =	ssettm $0x7FFFFFFF  }
tec
execute0_lowered:
.L_overlay_start_1:
0x0: {  	(tag) =	ssettag $0x1  }
0x1: {  	s1 =	rddreg [dreg:$0x0]  }
0x2: {  	s0 =	rddreg [dreg:$0x1]  }
0x3: {  	s2 =	rddreg [dreg:$0x2]  }
0x4: {  	s4 =	simm.s32 $0x0;
	s14 =	stileid.u32;
	s29 =	simm.s32 $0x300  }
0x5: {  	s30 =	simm.s32 $0x480;
	s31 =	simm.s32 $0x600;
	[smem:$0x7FF] =	sst s4  }
0x6: {  	s3 =	srdreg.scid;
	s5 =	sadd.s32 $0x196E00, s0;
	s6 =	sadd.s32 $0x18A600, s0  }
0x7: {  	s3 =	sand.u32 $0x1, s3;
	s7 =	sadd.s32 $0x190A00, s0;
	s11 =	smul.u32 $0x32000, s14  }
0x8: {  	s8 =	sshll.u32 s14, $0x1;
	s9 =	sadd.s32 $0x19D200, s0;
	s14 =	smul.u32 $0x3200, s14  }
0x9: {  	_ =	strace $0x80000047;
	s10 =	sor.u32 s3, s8;
	s28 =	smul.u32 $0x1900, s3  }
0xa: {  	s8 =	sadd.s32 $0x3C00, s0;
	s25 =	ssub.s32 $0x2, s3;
	s3 =	smul.u32 $0x19000, s3  }
0xb: {  	s12 =	smul.u32 $0x1900, s10;
	s10 =	sadd.s32 $0x1A1200, s0;
	s13 =	sshrl.u32 s25, $0x1  }
0xc: {  	s0 =	sadd.s32 s11, s0;
	s11 =	ssub.s32 s25, s13;
	s19 =	sadd.s32 s28, s14  }
0xd: {  	s0 =	sadd.s32 s3, s0;
	s3 =	simm.s32 $0x900;
	s11 =	smax.u32 s11, $0x1  }
0xe: {  	s14 =	simm.s32 $0x1;
	s0 =	sadd.s32 $0x1A2E00, s0;
	[dreg:$0xc] =	wrdreg s11  }
0xf: {  	s12 =	sshrl.u32 s12, $0x3;
	s28 =	sadd.s32 $0x280, s19;
	[dreg:$0xd] =	wrdreg s0  }
0x10: {  	s25 =	sadd.s32 $0x3C0, s19;
	s26 =	sadd.s32 s1, s12;
	[dreg:$0xe] =	wrdreg s28  }
0x11: {  	s15 =	sadd.s32 s5, s12;
	s16 =	sadd.s32 s6, s12;
	[dreg:$0x4] =	wrdreg s26  }
0x12: {  	s17 =	sadd.s32 $0x28, s12;
	s12 =	sadd.s32 s7, s12;
	[dreg:$0x5] =	wrdreg s15  }
0x13: {  	s13 =	sshrl.u32 s25, $0x3;
	s0 =	simm.s32 $0x780;
	[dreg:$0x6] =	wrdreg s16  }
0x14: {  	s11 =	simm.s32 $0xA80;
	[dreg:$0x7] =	wrdreg s12;
	s18 =	sadd.s32 s1, s17  }
0x15: {  	s23 =	sadd.s32 s5, s17;
	s24 =	sadd.s32 s6, s17;
	s26 =	sadd.s32 s7, s17  }
.Ltmp0:
0x16: {  	s20 =	sadd.s32 s13, s7;
	[dreg:$0x8] =	wrdreg s18;
	(pc) =	sbr.rel .LBB2_1-.Ltmp0, $4  }
0x17: {  	s21 =	sadd.s32 s13, s6;
	s22 =	sadd.s32 s13, s5;
	[dreg:$0x9] =	wrdreg s23  }
0x18: {  	s12 =	simm.s32 $0x140;
	s15 =	simm.s32 $0xAC00;
	[dreg:$0xa] =	wrdreg s24  }
0x19: {  	s17 =	simm.s32 $0x4;
	s16 =	simm.s32 $0x0;
	[dreg:$0xb] =	wrdreg s26  }
0x1a: {  	s23 =	sadd.s32 s13, s1;
	s13 =	simm.s32 $0xC00;
	s18 =	simm.s32 $0x2  }
.LBB2_4:
0x1b: {  	s1 =	simm.s32 $0x3  }
0x1c: {  	_ =	swait.ge [sflag:s1], $0xA000  }
0x1d: {  	[sflag:s1] =	ssyncset.done $0x0  }
0x1e: {  	[sflag:s1] =	ssyncadd.s32 $0xFFFF6000  }
0x1f: {  	_ =	swait.ge [sflag:s17], $0xA000  }
0x20: {  	s16 =	rddreg [dreg:$0xf]  }
0x21: {  	s28 =	rddreg [dreg:$0xc];
	s16 =	sadd.s32 $0x1, s16  }
0x22: {  	p0 =	sne.s32 s16, s28  }
.Ltmp1:
0x23: {  	_ = 	snop;
	(pc) =	sbr.rel @!p0 .LBB2_5-.Ltmp1, $3  }
0x24: {  	_ =	sdelay $0x1  }
0x25: {  	[sflag:s17] =	ssyncset.done $0x0  }
0x26: {  	[sflag:s17] =	ssyncadd.s32 $0xFFFF6000  }
.LBB2_1:
0x27: {  	[dreg:$0xf] =	wrdreg s16  }
0x28: {  	s1 =	rddreg [dreg:$0x4];
	s16 =	simm.s32 $0x5  }
0x29: {  	[tilespmem:s4], [sflag:$0x5] =	stream.linear.gather [hbm4b:s1+s4], $0x140, $0x38;
	[tilespmem:$0x14C00] =	vst v63  }
0x2a: {  	_ =	swait.ge [sflag:s16], $0x140  }
0x2b: {  	[sflag:s16] =	ssyncset.done $0x0  }
0x2c: {  	s19 =	simm.s32 $0x180;
	s26 =	rddreg [dreg:$0x5];
	[sflag:s16] =	ssyncadd.s32 $0xFFFFFEC0  }
0x2d: {  	[tilespmem:s19], [sflag:$0x5] =	stream.linear.gather [hbm4b:s26+s4], $0x140, $0x38;
	[tilespmem:$0x14C00] =	vst v63  }
0x2e: {  	_ =	swait.ge [sflag:s16], $0x140  }
0x2f: {  	[sflag:s16] =	ssyncset.done $0x0  }
0x30: {  	s28 =	rddreg [dreg:$0x6];
	[sflag:s16] =	ssyncadd.s32 $0xFFFFFEC0  }
0x31: {  	[tilespmem:s29], [sflag:$0x5] =	stream.linear.gather [hbm4b:s28+s4], $0x140, $0x38;
	[tilespmem:$0x14C00] =	vst v63  }
0x32: {  	_ =	swait.ge [sflag:s16], $0x140  }
0x33: {  	[sflag:s16] =	ssyncset.done $0x0  }
0x34: {  	s19 =	rddreg [dreg:$0x7];
	[sflag:s16] =	ssyncadd.s32 $0xFFFFFEC0  }
0x35: {  	[tilespmem:s30], [sflag:$0x5] =	stream.linear.gather [hbm4b:s19+s4], $0x140, $0x38;
	[tilespmem:$0x14C00] =	vst v63  }
0x36: {  	_ =	swait.ge [sflag:s16], $0x140  }
0x37: {  	[sflag:s16] =	ssyncset.done $0x0  }
0x38: {  	s24 =	rddreg [dreg:$0x8];
	[sflag:s16] =	ssyncadd.s32 $0xFFFFFEC0  }
0x39: {  	[tilespmem:s31], [sflag:$0x5] =	stream.linear.gather [hbm4b:s24+s4], $0x140, $0x38;
	[tilespmem:$0x14C00] =	vst v63  }
0x3a: {  	_ =	swait.ge [sflag:s16], $0x140  }
0x3b: {  	[sflag:s16] =	ssyncset.done $0x0  }
0x3c: {  	s25 =	rddreg [dreg:$0x9];
	[sflag:s16] =	ssyncadd.s32 $0xFFFFFEC0  }
0x3d: {  	[tilespmem:s0], [sflag:$0x5] =	stream.linear.gather [hbm4b:s25+s4], $0x140, $0x38;
	[tilespmem:$0x14C00] =	vst v63  }
0x3e: {  	_ =	swait.ge [sflag:s16], $0x140  }
0x3f: {  	[sflag:s16] =	ssyncset.done $0x0  }
0x40: {  	s26 =	rddreg [dreg:$0xa];
	[sflag:s16] =	ssyncadd.s32 $0xFFFFFEC0  }
0x41: {  	[tilespmem:s3], [sflag:$0x5] =	stream.linear.gather [hbm4b:s26+s4], $0x140, $0x38;
	[tilespmem:$0x14C00] =	vst v63  }
0x42: {  	_ =	swait.ge [sflag:s16], $0x140  }
0x43: {  	[sflag:s16] =	ssyncset.done $0x0  }
0x44: {  	s28 =	rddreg [dreg:$0xb];
	[sflag:s16] =	ssyncadd.s32 $0xFFFFFEC0  }
0x45: {  	[tilespmem:s11], [sflag:$0x5] =	stream.linear.gather [hbm4b:s28+s4], $0x140, $0x38;
	[tilespmem:$0x14C00] =	vst v63  }
0x46: {  	_ =	swait.ge [sflag:s16], $0x140  }
0x47: {  	[sflag:s16] =	ssyncset.done $0x0;
	s25 =	rddreg [dreg:$0xe]  }
0x48: {  	s24 =	rddreg [dreg:$0xd];
	[sflag:s16] =	ssyncadd.s32 $0xFFFFFEC0;
	s16 =	simm.s32 $0x0  }
.LBB2_2:
0x49: {  	p0 =	seq.s32 s16, $0x0  }
0x4a: {  	s19 =	simm.s32 @!p0 $0x3  }
0x4b: {  	_ =	swait.ge @!p0 [sflag:s19], $0xA000  }
0x4c: {  	[sflag:s19] =	ssyncset.done @!p0 $0x0  }
0x4d: {  	[sflag:s19] =	ssyncadd.s32 @!p0 $0xFFFF6000  }
0x4e: {  	[tilespmem:s13], [sflag:$0x1] =	stream.indirect.gather [hbm4b:s2+s12], $0x80, s4, s12, $0xb8;
	[tilespmem:$0x14C00] =	vst v63  }
0x4f: {  	_ =	swait.ge [sflag:s14], $0xA000  }
0x50: {  	[sflag:s14] =	ssyncset.done $0x0  }
0x51: {  	s1 =	simm.s32 $0x180;
	[sflag:s14] =	ssyncadd.s32 $0xFFFF6000  }
0x52: {  	[tilespmem:s13], [sflag:$0x1] =	stream.indirect.gather.add.f32 [hbm:s8], $0x80, s1, s12, $0xb8;
	[tilespmem:$0x14C00] =	vst v63  }
0x53: {  	_ = 	snop  }
0x54: {  	[tilespmem:s13], [sflag:$0x1] =	stream.indirect.gather.add.f32 [hbm:s9], $0x80, s29, s12, $0xb8;
	[tilespmem:$0x14C00] =	vst v63  }
0x55: {  	_ = 	snop  }
0x56: {  	[tilespmem:s13], [sflag:$0x1] =	stream.indirect.gather.add.f32 [hbm:s10], $0x80, s30, s12, $0xb8;
	[tilespmem:$0x14C00] =	vst v63  }
0x57: {  	_ =	swait.ge [sflag:s14], $0xA000  }
0x58: {  	[sflag:s14] =	ssyncset.done $0x0  }
0x59: {  	[sflag:s14] =	ssyncadd.s32 $0xFFFF6000  }
0x5a: {  	_ =	swait.ge [sflag:s14], $0xA000  }
0x5b: {  	[sflag:s14] =	ssyncset.done $0x0  }
0x5c: {  	[sflag:s14] =	ssyncadd.s32 $0xFFFF6000  }
0x5d: {  	_ =	swait.ge [sflag:s14], $0xA000  }
0x5e: {  	[sflag:s14] =	ssyncset.done $0x0  }
0x5f: {  	s28 =	sadd.s32 $0xFFFFEC00, s24;
	p0 =	seq.s32 s16, $0x2D0;
	[sflag:s14] =	ssyncadd.s32 $0xFFFF6000  }
0x60: {  	[hbm4b:s28+s4] =	stream.linear.scatter [tilespmem:s13], [sflag:$0x3], $0xA000, $0x38;
	[tilespmem:$0x14C00] =	vst v63  }
0x61: {  	s19 =	sshrl.u32 @!p0 s25, $0x3;
	s1 =	rddreg [dreg:$0x0]  }
0x62: {  	s26 =	sadd.s32 @!p0 s1, s19;
	s1 =	simm.s32 @!p0 $0x0  }
0x63: {  	[tilespmem:s1], [sflag:$0x2] =	stream.linear.gather @!p0 [hbm4b:s26+s1], $0x140, $0x38;
	[tilespmem:$0x14C00] =	vst v63  }
0x64: {  	s28 =	simm.s32 @!p0 $0x180;
	s26 =	sadd.s32 @!p0 s5, s19  }
0x65: {  	[tilespmem:s28], [sflag:$0x2] =	stream.linear.gather @!p0 [hbm4b:s26+s1], $0x140, $0x38;
	[tilespmem:$0x14C00] =	vst v63  }
0x66: {  	p1 =	seq.s32 @!p0 s16, $0x0;
	s26 =	sadd.s32 @!p0 s6, s19;
	s28 =	simm.s32 @!p0 $0x300  }
0x67: {  	[tilespmem:s28], [sflag:$0x2] =	stream.linear.gather @!p0 [hbm4b:s26+s1], $0x140, $0x38;
	[tilespmem:$0x14C00] =	vst v63  }
0x68: {  	p1 =	por p0, !p1;
	s19 =	sadd.s32 @!p0 s7, s19;
	s26 =	simm.s32 @!p0 $0x480  }
0x69: {  	[tilespmem:s26], [sflag:$0x2] =	stream.linear.gather @!p0 [hbm4b:s19+s1], $0x140, $0x38;
	[tilespmem:$0x14C00] =	vst v63  }
0x6a: {  	_ =	swait.ge @p1 [sflag:s17], $0xA000  }
0x6b: {  	[sflag:s17] =	ssyncset.done @p1 $0x0  }
0x6c: {  	[sflag:s17] =	ssyncadd.s32 @p1 $0xFFFF6000  }
0x6d: {  	[tilespmem:s15], [sflag:$0x1] =	stream.indirect.gather [hbm4b:s2+s12], $0x80, s31, s12, $0xb8;
	[tilespmem:$0x14C00] =	vst v63  }
0x6e: {  	_ =	swait.ge [sflag:s14], $0xA000  }
0x6f: {  	[sflag:s14] =	ssyncset.done $0x0  }
0x70: {  	[sflag:s14] =	ssyncadd.s32 $0xFFFF6000  }
0x71: {  	[tilespmem:s15], [sflag:$0x1] =	stream.indirect.gather.add.f32 [hbm:s8], $0x80, s0, s12, $0xb8;
	[tilespmem:$0x14C00] =	vst v63  }
0x72: {  	_ = 	snop  }
0x73: {  	[tilespmem:s15], [sflag:$0x1] =	stream.indirect.gather.add.f32 [hbm:s9], $0x80, s3, s12, $0xb8;
	[tilespmem:$0x14C00] =	vst v63  }
0x74: {  	_ = 	snop  }
0x75: {  	[tilespmem:s15], [sflag:$0x1] =	stream.indirect.gather.add.f32 [hbm:s10], $0x80, s11, s12, $0xb8;
	[tilespmem:$0x14C00] =	vst v63  }
0x76: {  	_ =	swait.ge [sflag:s14], $0xA000  }
0x77: {  	[sflag:s14] =	ssyncset.done $0x0  }
0x78: {  	[sflag:s14] =	ssyncadd.s32 $0xFFFF6000  }
0x79: {  	_ =	swait.ge [sflag:s14], $0xA000  }
0x7a: {  	[sflag:s14] =	ssyncset.done $0x0  }
.Ltmp2:
0x7b: {  	[sflag:s14] =	ssyncadd.s32 $0xFFFF6000;
	(pc) =	sbr.rel @p0 .LBB2_4-.Ltmp2, $4  }
0x7c: {  	_ =	swait.ge [sflag:s14], $0xA000  }
0x7d: {  	[sflag:s14] =	ssyncset.done $0x0  }
0x7e: {  	[sflag:s14] =	ssyncadd.s32 $0xFFFF6000  }
0x7f: {  	[hbm4b:s24+s4] =	stream.linear.scatter [tilespmem:s15], [sflag:$0x4], $0xA000, $0x38;
	[tilespmem:$0x14C00] =	vst v63  }
0x80: {  	s1 =	sadd.s32 s16, s23  }
0x81: {  	[tilespmem:s31], [sflag:$0x2] =	stream.linear.gather [hbm4b:s1+s4], $0x140, $0x38;
	[tilespmem:$0x14C00] =	vst v63  }
0x82: {  	s19 =	sadd.s32 s16, s22  }
0x83: {  	[tilespmem:s0], [sflag:$0x2] =	stream.linear.gather [hbm4b:s19+s4], $0x140, $0x38;
	[tilespmem:$0x14C00] =	vst v63  }
0x84: {  	s26 =	sadd.s32 s16, s21  }
0x85: {  	[tilespmem:s3], [sflag:$0x2] =	stream.linear.gather [hbm4b:s26+s4], $0x140, $0x38;
	[tilespmem:$0x14C00] =	vst v63  }
0x86: {  	s28 =	sadd.s32 s16, s20  }
0x87: {  	[tilespmem:s11], [sflag:$0x2] =	stream.linear.gather [hbm4b:s28+s4], $0x140, $0x38;
	[tilespmem:$0x14C00] =	vst v63  }
0x88: {  	_ =	swait.ge [sflag:s18], $0x140  }
0x89: {  	[sflag:s18] =	ssyncset.done $0x0  }
0x8a: {  	[sflag:s18] =	ssyncadd.s32 $0xFFFFFEC0  }
0x8b: {  	_ =	swait.ge [sflag:s18], $0x140  }
0x8c: {  	[sflag:s18] =	ssyncset.done $0x0  }
0x8d: {  	[sflag:s18] =	ssyncadd.s32 $0xFFFFFEC0  }
0x8e: {  	_ =	swait.ge [sflag:s18], $0x140  }
0x8f: {  	[sflag:s18] =	ssyncset.done $0x0  }
0x90: {  	[sflag:s18] =	ssyncadd.s32 $0xFFFFFEC0  }
0x91: {  	_ =	swait.ge [sflag:s18], $0x140  }
0x92: {  	[sflag:s18] =	ssyncset.done $0x0  }
0x93: {  	[sflag:s18] =	ssyncadd.s32 $0xFFFFFEC0  }
0x94: {  	_ =	swait.ge [sflag:s18], $0x140  }
0x95: {  	[sflag:s18] =	ssyncset.done $0x0  }
0x96: {  	[sflag:s18] =	ssyncadd.s32 $0xFFFFFEC0  }
0x97: {  	_ =	swait.ge [sflag:s18], $0x140  }
0x98: {  	[sflag:s18] =	ssyncset.done $0x0  }
0x99: {  	[sflag:s18] =	ssyncadd.s32 $0xFFFFFEC0  }
0x9a: {  	_ =	swait.ge [sflag:s18], $0x140  }
.Ltmp3:
0x9b: {  	[sflag:s18] =	ssyncset.done $0x0;
	(pc) =	sbr.rel .LBB2_2-.Ltmp3, $4  }
0x9c: {  	[sflag:s18] =	ssyncadd.s32 $0xFFFFFEC0  }
0x9d: {  	_ =	swait.ge [sflag:s18], $0x140  }
0x9e: {  	s16 =	sadd.s32 $0x50, s16;
	[sflag:s18] =	ssyncset.done $0x0  }
0x9f: {  	s24 =	sadd.s32 $0x2800, s24;
	s25 =	sadd.s32 $0x280, s25;
	[sflag:s18] =	ssyncadd.s32 $0xFFFFFEC0  }
.LBB2_5:
0xa0: {  	_ =	sfence.sel $0x180000  }
0xa1: {  	[bflag:$0x0] =	sbarrier.arrive $0xFFFF  }
0xa2: {  	_ =	strace $0x90000047  }
0xa3: {  	s0 =	stileid.u32;
	[bflag:$0x2] =	sbarrier.arrive $0xFFFF  }
0xa4: {  	p0 =	sne.s32 s0, $0x0;
	s0 =	rddreg [dreg:$0x3]  }
0xa5: {  	s0 =	sadd.s32 @!p0 $0x100000, s0  }
0xa6: {  	[sflag:s0] =	ssyncadd.tile.s32 @!p0 $0x1;
	_ =	shalt  }
.Lfunc_end2:
_tile_overlayer_lowered:
.L_overlay_start_2:
0xa7: {  	(tag) =	ssettag $0x2  }
0xa8: {  	s0 =	rddreg [dreg:$0x0];
	s2 =	stileid.u32  }
0xa9: {  	s1 =	rddreg [dreg:$0x1];
	p0 =	sne.s32 s2, $0x0  }
0xaa: {  	s3 =	rddreg [dreg:$0x2];
	[bflag:$0x3] =	sbarrier.arrive $0xFFFF;
	s2 =	simm.s32 @!p0 $0x1C05  }
0xab: {  	[timem:s3], [sflag:s2] =	dma.local @!p0 [hbm:s0], s1  }
0xac: {  	s0 =	simm.s32 @!p0 $0x5  }
0xad: {  	_ =	swait.ge @!p0 [sflag:s0], s1  }
0xae: {  	s1 =	ssub.s32 @!p0 $0x0, s1;
	[sflag:s0] =	ssyncset.done @!p0 $0x0  }
0xaf: {  	[sflag:s0] =	ssyncadd.s32 @!p0 s1  }
0xb0: {  	[bflag:$0x3] =	sbarrier.arrive $0xFFFF  }
0xb1: {  	_ =	shalt  }

</sc_bundles>
